<compile_context>
chip_gen: v7x
topology: tpu7x:2x2x1
jax: 0.10.2.dev20260603
libtpu: 0.0.44.dev20260713+nightly
codegen_flags: <defaults>
</compile_context>

<pallas_src>
import dataclasses
import functools

import jax
import jax.numpy as jnp
from jax import lax
from jax.experimental import pallas as pl
from jax.experimental.pallas import tpu as pltpu
from jax.experimental.pallas import tpu_sc as plsc

N = 10000
E = 320000
D = 128

NC = 2
NS = 16
NW = NC * NS

K = 128
NB = 2
CPT = 80
CHUNKS = NW * CPT
EP = CHUNKS * K
NP = 10240
RPT = NP // NS
RB = 128
GB = NP // RB

_mesh = plsc.VectorSubcoreMesh(
    core_axis_name="c", subcore_axis_name="s", num_cores=NC, num_subcores=NS
)

_cp = pltpu.CompilerParams()
if "needs_layout_passes" in pltpu.CompilerParams.__dataclass_fields__:
    _cp = dataclasses.replace(_cp, needs_layout_passes=False)



@functools.partial(
    pl.kernel,
    out_type=jax.ShapeDtypeStruct((NW, NP), jnp.float32),
    mesh=_mesh,
    compiler_params=_cp,
    scratch_types=[
        pltpu.VMEM((CPT, 2, K), jnp.int32),
        pltpu.VMEM((NP,), jnp.float32),
    ],
)
def _sc_degree(sd_hbm, out_hbm, sd_v, hist_v):
    c = lax.axis_index("c")
    s = lax.axis_index("s")
    wid = c * NS + s
    pltpu.sync_copy(sd_hbm.at[pl.ds(wid * CPT, CPT)], sd_v)

    zeros16 = jnp.zeros((16,), jnp.float32)

    @pl.loop(0, NP // 16)
    def _(i):
        hist_v[pl.ds(i * 16, 16)] = zeros16

    ones16 = jnp.ones((16,), jnp.float32)

    @pl.loop(0, CPT)
    def _(j):
        @pl.loop(0, K // 16)
        def _(k):
            idx = sd_v[j, 1, pl.ds(k * 16, 16)]
            plsc.addupdate_scatter(hist_v, [idx], ones16)

    pltpu.sync_copy(hist_v, out_hbm.at[wid])


@functools.partial(
    pl.kernel,
    out_type=jax.ShapeDtypeStruct((NC, NP, D), jnp.float32),
    mesh=_mesh,
    scratch_types=[
        pltpu.VMEM((2 * NB, K), jnp.int32),
        pltpu.VMEM((NB, K, D), jnp.float32),
        pltpu.VMEM_SHARED((NP, D), jnp.float32),
        pltpu.SemaphoreType.DMA,
        pltpu.SemaphoreType.DMA,
        pltpu.SemaphoreType.DMA,
    ],
)
def _sc_aggregate(g_hbm, sd_hbm, zeros_hbm, out_hbm, sd_v, rows_v, acc_sp,
                  semi, semg0, semg1):
    c = lax.axis_index("c")
    s = lax.axis_index("s")
    wid = c * NS + s
    semg = [semg0, semg1]
    pltpu.sync_copy(
        zeros_hbm.at[pl.ds(s * RPT, RPT)], acc_sp.at[pl.ds(s * RPT, RPT)]
    )
    plsc.subcore_barrier()

    @pl.loop(0, CPT // NB)
    def _(t):
        base = wid * CPT + t * NB
        idx_d = [
            pltpu.async_copy(
                sd_hbm.at[base + i], sd_v.at[pl.ds(2 * i, 2)], semi
            )
            for i in range(NB)
        ]
        for d in idx_d:
            d.wait()
        g_d = [
            pltpu.async_copy(
                g_hbm.at[sd_v.at[2 * i]], rows_v.at[i], semg[i]
            )
            for i in range(NB)
        ]
        for i in range(NB):
            g_d[i].wait()
            pltpu.sync_copy(
                rows_v.at[i], acc_sp.at[sd_v.at[2 * i + 1]], add=True
            )

    plsc.subcore_barrier()
    pltpu.sync_copy(
        acc_sp.at[pl.ds(s * RPT, RPT)], out_hbm.at[c].at[pl.ds(s * RPT, RPT)]
    )



def _dis_block(degp):
    indeg = jnp.sum(degp, axis=0).reshape(1, RB)
    return lax.rsqrt(1.0 + jnp.transpose(indeg))


def _pre_body(x_ref, degp_ref, w_ref, out_ref):
    dis = _dis_block(degp_ref[...])
    h = jnp.dot(x_ref[...], w_ref[...], preferred_element_type=jnp.float32)
    out_ref[...] = h * dis


def _mid_body(acc_ref, g_ref, degp_ref, w_ref, b_ref, out_ref):
    dis = _dis_block(degp_ref[...])
    sagg = acc_ref[0] + acc_ref[1] + g_ref[...]
    t = jnp.maximum(dis * sagg + b_ref[...], 0.0)
    out_ref[...] = jnp.dot(t, w_ref[...], preferred_element_type=jnp.float32) * dis


def _out_body(acc_ref, g_ref, degp_ref, wo_ref, b_ref, bo_ref, out_ref):
    dis = _dis_block(degp_ref[...])
    sagg = acc_ref[0] + acc_ref[1] + g_ref[...]
    t = jnp.maximum(dis * sagg + b_ref[...], 0.0)
    z = jnp.dot(t, wo_ref[...], preferred_element_type=jnp.float32) + bo_ref[...]
    out_ref[...] = jax.nn.sigmoid(z)


_row_spec = pl.BlockSpec((RB, D), lambda i: (i, 0))
_acc_spec = pl.BlockSpec((NC, RB, D), lambda i: (0, i, 0))
_degp_spec = pl.BlockSpec((NW, RB), lambda i: (0, i))
_w_spec = pl.BlockSpec((D, D), lambda i: (0, 0))
_b_spec = pl.BlockSpec((1, D), lambda i: (0, 0))

_tc_pre = pl.pallas_call(
    _pre_body,
    grid=(GB,),
    in_specs=[_row_spec, _degp_spec, _w_spec],
    out_specs=_row_spec,
    out_shape=jax.ShapeDtypeStruct((NP, D), jnp.float32),
)

_tc_mid = pl.pallas_call(
    _mid_body,
    grid=(GB,),
    in_specs=[_acc_spec, _row_spec, _degp_spec, _w_spec, _b_spec],
    out_specs=_row_spec,
    out_shape=jax.ShapeDtypeStruct((NP, D), jnp.float32),
)

_tc_out = pl.pallas_call(
    _out_body,
    grid=(GB,),
    in_specs=[
        _acc_spec,
        _row_spec,
        _degp_spec,
        pl.BlockSpec((D, 1), lambda i: (0, 0)),
        _b_spec,
        pl.BlockSpec((1, 1), lambda i: (0, 0)),
    ],
    out_specs=pl.BlockSpec((RB, 1), lambda i: (i, 0)),
    out_shape=jax.ShapeDtypeStruct((NP, 1), jnp.float32),
)



@jax.jit
def kernel(x, edge_index, W1, b1, W2, b2, W3, b3, Wo, bo):
    ei = jnp.pad(edge_index, ((0, 0), (0, EP - E)), constant_values=N)
    sd = ei.reshape(2, CHUNKS, K).transpose(1, 0, 2)
    xp = jnp.pad(x, ((0, NP - N), (0, 0)))
    zeros_d = jnp.zeros((NP, D), jnp.float32)

    degp = _sc_degree(sd)
    g1 = _tc_pre(xp, degp, W1)
    a1 = _sc_aggregate(g1, sd, zeros_d)
    g2 = _tc_mid(a1, g1, degp, W2, b1.reshape(1, D))
    a2 = _sc_aggregate(g2, sd, zeros_d)
    g3 = _tc_mid(a2, g2, degp, W3, b2.reshape(1, D))
    a3 = _sc_aggregate(g3, sd, zeros_d)
    y = _tc_out(a3, g3, degp, Wo, b3.reshape(1, D), bo.reshape(1, 1))
    return y[:N]

# --- scband reference (transcript-rebuilt; emitter-appended) ---
"""Pipeline reference for scband-gcn-27960237097168 (READ-ONLY COPY).

The authoritative reference and input builder live on the scoring server;
editing this copy changes nothing except your own understanding.
"""

import jax, jax.numpy as jnp
import numpy as np

N = 10000
E = 320000
D = 128
H = 128


def _gcn_conv(x, edge_index, W, b):
    n = x.shape[0]
    loop = jnp.arange(n, dtype=edge_index.dtype)
    src = jnp.concatenate([edge_index[0], loop])
    dst = jnp.concatenate([edge_index[1], loop])
    deg = jax.ops.segment_sum(jnp.ones(src.shape[0], dtype=x.dtype), dst, num_segments=n)
    dis = jnp.where(deg > 0, 1.0 / jnp.sqrt(jnp.maximum(deg, 1e-12)), 0.0)
    norm = dis[src] * dis[dst]
    h = x @ W
    msg = h[src] * norm[:, None]
    out = jax.ops.segment_sum(msg, dst, num_segments=n)
    return out + b


def setup_inputs(seed: int = 0):
    key = jax.random.key(seed)
    ks = jax.random.split(key, 10)
    x = jax.random.normal(ks[0], (N, D), dtype=jnp.float32)
    edge_index = jax.random.randint(ks[1], (2, E), 0, N, dtype=jnp.int32)
    W1 = jax.random.normal(ks[2], (D, H), dtype=jnp.float32) * (1.0 / np.sqrt(D))
    b1 = jnp.zeros((H,), dtype=jnp.float32)
    W2 = jax.random.normal(ks[3], (H, H), dtype=jnp.float32) * (1.0 / np.sqrt(H))
    b2 = jnp.zeros((H,), dtype=jnp.float32)
    W3 = jax.random.normal(ks[4], (H, H), dtype=jnp.float32) * (1.0 / np.sqrt(H))
    b3 = jnp.zeros((H,), dtype=jnp.float32)
    Wo = jax.random.normal(ks[5], (H, 1), dtype=jnp.float32) * (1.0 / np.sqrt(H))
    bo = jnp.zeros((1,), dtype=jnp.float32)
    return {"x": x, "edge_index": edge_index, "W1": W1, "b1": b1, "W2": W2, "b2": b2, "W3": W3, "b3": b3, "Wo": Wo, "bo": bo}


def reference(x, edge_index, W1, b1, W2, b2, W3, b3, Wo, bo):
    h = _gcn_conv(x, edge_index, W1, b1)
    h = jax.nn.relu(h)
    h = _gcn_conv(h, edge_index, W2, b2)
    h = jax.nn.relu(h)
    h = _gcn_conv(h, edge_index, W3, b3)
    h = jax.nn.relu(h)
    out = h @ Wo + bo
    return jax.nn.sigmoid(out)

if __name__ == "__main__":
    import jax
    _d = setup_inputs()
    print(jax.jit(kernel)(*tuple(_d.values())))

</pallas_src>

<mosaic_0001>
#map = affine_map<(d0, d1) -> (0, 0)>
#map1 = affine_map<(d0, d1) -> (0, 0, 0)>
module attributes {stable_mosaic.version = 14 : i64} {
  func.func @_sc_aggregate(%arg0: i32, %arg1: i32, %arg2: memref<10240x128xf32, #tpu.memory_space<hbm>>, %arg3: memref<2560x2x128xi32, #tpu.memory_space<hbm>>, %arg4: memref<10240x128xf32, #tpu.memory_space<hbm>>, %arg5: memref<2x10240x128xf32, #tpu.memory_space<hbm>>, %arg6: memref<4x128xi32, #tpu.memory_space<vmem>>, %arg7: memref<2x128x128xf32, #tpu.memory_space<vmem>>, %arg8: memref<10240x128xf32, #tpu.memory_space<vmem_shared>>, %arg9: memref<!tpu.dma_semaphore, #tpu.memory_space<semaphore_mem>>, %arg10: memref<!tpu.dma_semaphore, #tpu.memory_space<semaphore_mem>>, %arg11: memref<!tpu.dma_semaphore, #tpu.memory_space<semaphore_mem>>) attributes {dimension_semantics = [#tpu.dimension_semantics<core_parallel>, #tpu.dimension_semantics<subcore_parallel>], iteration_bounds = array<i64: 2, 16>, scalar_prefetch = 0 : i64, scratch_operands = 6 : i64, tpu.core_type = #tpu.core_type<sc_vector_subcore>, window_params = [{transform_indices = #map}, {transform_indices = #map1}, {transform_indices = #map}, {transform_indices = #map1}]} {
    %mul3A = arith.constant 16 : i32
    %mul3A_0 = arith.muli %arg0, %mul3A : i32
    %add3A = arith.addi %mul3A_0, %arg1 : i32
    %mul3A_1 = arith.constant 640 : i32
    %mul3A_2 = arith.muli %arg1, %mul3A_1 : i32
    %mul3A_3 = arith.constant 640 : i32
    %mul3A_4 = arith.muli %arg1, %mul3A_3 : i32
    "tpu.region"() ({
      %run_scoped3A = tpu.sem_alloc : memref<!tpu.dma_semaphore, #tpu.memory_space<semaphore_mem>>
      %dma_start3A = arith.constant 0 : i32
      %dma_start3A_14 = tpu.memref_slice %arg8[%mul3A_4, %dma_start3A] : memref<10240x128xf32, #tpu.memory_space<vmem_shared>> -> memref<640x128xf32, #tpu.memory_space<vmem_shared>>
      %dma_start3A_15 = arith.constant 0 : i32
      %dma_start3A_16 = tpu.memref_slice %arg4[%mul3A_2, %dma_start3A_15] : memref<10240x128xf32, #tpu.memory_space<hbm>> -> memref<640x128xf32, #tpu.memory_space<hbm>>
      tpu.enqueue_dma source(%dma_start3A_16 : memref<640x128xf32, #tpu.memory_space<hbm>>) target(%dma_start3A_14 : memref<640x128xf32, #tpu.memory_space<vmem_shared>>) target_semaphore(%run_scoped3A : memref<!tpu.dma_semaphore, #tpu.memory_space<semaphore_mem>>)
      %dma_wait3A = arith.constant 0 : i32
      %dma_wait3A_17 = tpu.memref_slice %arg8[%mul3A_4, %dma_wait3A] : memref<10240x128xf32, #tpu.memory_space<vmem_shared>> -> memref<640x128xf32, #tpu.memory_space<vmem_shared>>
      %dma_wait3A_18 = arith.constant 0 : i32
      %dma_wait3A_19 = tpu.memref_slice %arg4[%mul3A_2, %dma_wait3A_18] : memref<10240x128xf32, #tpu.memory_space<hbm>> -> memref<640x128xf32, #tpu.memory_space<hbm>>
      tpu.wait_dma2 semaphore(%run_scoped3A : memref<!tpu.dma_semaphore, #tpu.memory_space<semaphore_mem>>) src(%dma_wait3A_19 : memref<640x128xf32, #tpu.memory_space<hbm>>) dst(%dma_wait3A_17 : memref<640x128xf32, #tpu.memory_space<vmem_shared>>)
      tpu.yield
    }) : () -> ()
    %barrier3A = arith.constant 0 : index
    tpu.barrier barrier_id(%barrier3A)
    %scan3A = arith.constant 0 : i32
    %scan3A_5 = arith.constant 40 : i32
    %scan3A_6 = arith.addi %scan3A, %scan3A_5 : i32
    %scan3A_7 = arith.constant 1 : i32
    scf.for %scan3A_14 = %scan3A to %scan3A_6 step %scan3A_7  : i32 {
      %mul3A_15 = arith.constant 1 : i32
      %mul3A_16 = arith.muli %scan3A_14, %mul3A_15 : i32
      %add3A_17 = arith.constant 0 : i32
      %add3A_18 = arith.addi %add3A_17, %mul3A_16 : i32
      %mul3A_19 = arith.constant 80 : i32
      %mul3A_20 = arith.muli %add3A, %mul3A_19 : i32
      %mul3A_21 = arith.constant 2 : i32
      %mul3A_22 = arith.muli %add3A_18, %mul3A_21 : i32
      %add3A_23 = arith.addi %mul3A_20, %mul3A_22 : i32
      %add3A_24 = arith.constant 0 : i32
      %add3A_25 = arith.addi %add3A_23, %add3A_24 : i32
      %dma_start3A = arith.constant 0 : i32
      %dma_start3A_26 = arith.constant 0 : i32
      %dma_start3A_27 = tpu.memref_slice %arg6[%dma_start3A, %dma_start3A_26] : memref<4x128xi32, #tpu.memory_space<vmem>> -> memref<2x128xi32, #tpu.memory_space<vmem>>
      %dma_start3A_28 = arith.constant 0 : i32
      %dma_start3A_29 = arith.constant 0 : i32
      %dma_start3A_30 = tpu.memref_slice %arg3[%add3A_25, %dma_start3A_28, %dma_start3A_29] : memref<2560x2x128xi32, #tpu.memory_space<hbm>> -> memref<1x2x128xi32, #tpu.memory_space<hbm>>
      %dma_start3A_31 = tpu.memref_squeeze %dma_start3A_30 : memref<1x2x128xi32, #tpu.memory_space<hbm>> -> memref<2x128xi32, #tpu.memory_space<hbm>>
      %dma_start3A_32 = arith.constant 0 : i32
      %dma_start3A_33 = arith.constant 0 : i32
      %dma_start3A_34 = tpu.memref_slice %arg6[%dma_start3A_32, %dma_start3A_33] : memref<4x128xi32, #tpu.memory_space<vmem>> -> memref<2x128xi32, #tpu.memory_space<vmem>>
      %dma_start3A_35 = arith.constant 0 : i32
      %dma_start3A_36 = arith.constant 0 : i32
      %dma_start3A_37 = tpu.memref_slice %arg3[%add3A_25, %dma_start3A_35, %dma_start3A_36] : memref<2560x2x128xi32, #tpu.memory_space<hbm>> -> memref<1x2x128xi32, #tpu.memory_space<hbm>>
      %dma_start3A_38 = tpu.memref_squeeze %dma_start3A_37 : memref<1x2x128xi32, #tpu.memory_space<hbm>> -> memref<2x128xi32, #tpu.memory_space<hbm>>
      tpu.enqueue_dma source(%dma_start3A_38 : memref<2x128xi32, #tpu.memory_space<hbm>>) target(%dma_start3A_34 : memref<2x128xi32, #tpu.memory_space<vmem>>) target_semaphore(%arg9 : memref<!tpu.dma_semaphore, #tpu.memory_space<semaphore_mem>>)
      %add3A_39 = arith.constant 1 : i32
      %add3A_40 = arith.addi %add3A_23, %add3A_39 : i32
      %dma_start3A_41 = arith.constant 2 : i32
      %dma_start3A_42 = arith.constant 0 : i32
      %dma_start3A_43 = tpu.memref_slice %arg6[%dma_start3A_41, %dma_start3A_42] : memref<4x128xi32, #tpu.memory_space<vmem>> -> memref<2x128xi32, #tpu.memory_space<vmem>>
      %dma_start3A_44 = arith.constant 0 : i32
      %dma_start3A_45 = arith.constant 0 : i32
      %dma_start3A_46 = tpu.memref_slice %arg3[%add3A_40, %dma_start3A_44, %dma_start3A_45] : memref<2560x2x128xi32, #tpu.memory_space<hbm>> -> memref<1x2x128xi32, #tpu.memory_space<hbm>>
      %dma_start3A_47 = tpu.memref_squeeze %dma_start3A_46 : memref<1x2x128xi32, #tpu.memory_space<hbm>> -> memref<2x128xi32, #tpu.memory_space<hbm>>
      %dma_start3A_48 = arith.constant 2 : i32
      %dma_start3A_49 = arith.constant 0 : i32
      %dma_start3A_50 = tpu.memref_slice %arg6[%dma_start3A_48, %dma_start3A_49] : memref<4x128xi32, #tpu.memory_space<vmem>> -> memref<2x128xi32, #tpu.memory_space<vmem>>
      %dma_start3A_51 = arith.constant 0 : i32
      %dma_start3A_52 = arith.constant 0 : i32
      %dma_start3A_53 = tpu.memref_slice %arg3[%add3A_40, %dma_start3A_51, %dma_start3A_52] : memref<2560x2x128xi32, #tpu.memory_space<hbm>> -> memref<1x2x128xi32, #tpu.memory_space<hbm>>
      %dma_start3A_54 = tpu.memref_squeeze %dma_start3A_53 : memref<1x2x128xi32, #tpu.memory_space<hbm>> -> memref<2x128xi32, #tpu.memory_space<hbm>>
      tpu.enqueue_dma source(%dma_start3A_54 : memref<2x128xi32, #tpu.memory_space<hbm>>) target(%dma_start3A_50 : memref<2x128xi32, #tpu.memory_space<vmem>>) target_semaphore(%arg9 : memref<!tpu.dma_semaphore, #tpu.memory_space<semaphore_mem>>)
      %dma_wait3A = arith.constant 0 : i32
      %dma_wait3A_55 = arith.constant 0 : i32
      %dma_wait3A_56 = tpu.memref_slice %arg6[%dma_wait3A, %dma_wait3A_55] : memref<4x128xi32, #tpu.memory_space<vmem>> -> memref<2x128xi32, #tpu.memory_space<vmem>>
      %dma_wait3A_57 = arith.constant 0 : i32
      %dma_wait3A_58 = arith.constant 0 : i32
      %dma_wait3A_59 = tpu.memref_slice %arg3[%add3A_25, %dma_wait3A_57, %dma_wait3A_58] : memref<2560x2x128xi32, #tpu.memory_space<hbm>> -> memref<1x2x128xi32, #tpu.memory_space<hbm>>
      %dma_wait3A_60 = tpu.memref_squeeze %dma_wait3A_59 : memref<1x2x128xi32, #tpu.memory_space<hbm>> -> memref<2x128xi32, #tpu.memory_space<hbm>>
      %dma_wait3A_61 = arith.constant 0 : i32
      %dma_wait3A_62 = arith.constant 0 : i32
      %dma_wait3A_63 = tpu.memref_slice %arg6[%dma_wait3A_61, %dma_wait3A_62] : memref<4x128xi32, #tpu.memory_space<vmem>> -> memref<2x128xi32, #tpu.memory_space<vmem>>
      %dma_wait3A_64 = arith.constant 0 : i32
      %dma_wait3A_65 = arith.constant 0 : i32
      %dma_wait3A_66 = tpu.memref_slice %arg3[%add3A_25, %dma_wait3A_64, %dma_wait3A_65] : memref<2560x2x128xi32, #tpu.memory_space<hbm>> -> memref<1x2x128xi32, #tpu.memory_space<hbm>>
      %dma_wait3A_67 = tpu.memref_squeeze %dma_wait3A_66 : memref<1x2x128xi32, #tpu.memory_space<hbm>> -> memref<2x128xi32, #tpu.memory_space<hbm>>
      tpu.wait_dma2 semaphore(%arg9 : memref<!tpu.dma_semaphore, #tpu.memory_space<semaphore_mem>>) src(%dma_wait3A_67 : memref<2x128xi32, #tpu.memory_space<hbm>>) dst(%dma_wait3A_63 : memref<2x128xi32, #tpu.memory_space<vmem>>)
      %dma_wait3A_68 = arith.constant 2 : i32
      %dma_wait3A_69 = arith.constant 0 : i32
      %dma_wait3A_70 = tpu.memref_slice %arg6[%dma_wait3A_68, %dma_wait3A_69] : memref<4x128xi32, #tpu.memory_space<vmem>> -> memref<2x128xi32, #tpu.memory_space<vmem>>
      %dma_wait3A_71 = arith.constant 0 : i32
      %dma_wait3A_72 = arith.constant 0 : i32
      %dma_wait3A_73 = tpu.memref_slice %arg3[%add3A_40, %dma_wait3A_71, %dma_wait3A_72] : memref<2560x2x128xi32, #tpu.memory_space<hbm>> -> memref<1x2x128xi32, #tpu.memory_space<hbm>>
      %dma_wait3A_74 = tpu.memref_squeeze %dma_wait3A_73 : memref<1x2x128xi32, #tpu.memory_space<hbm>> -> memref<2x128xi32, #tpu.memory_space<hbm>>
      %dma_wait3A_75 = arith.constant 2 : i32
      %dma_wait3A_76 = arith.constant 0 : i32
      %dma_wait3A_77 = tpu.memref_slice %arg6[%dma_wait3A_75, %dma_wait3A_76] : memref<4x128xi32, #tpu.memory_space<vmem>> -> memref<2x128xi32, #tpu.memory_space<vmem>>
      %dma_wait3A_78 = arith.constant 0 : i32
      %dma_wait3A_79 = arith.constant 0 : i32
      %dma_wait3A_80 = tpu.memref_slice %arg3[%add3A_40, %dma_wait3A_78, %dma_wait3A_79] : memref<2560x2x128xi32, #tpu.memory_space<hbm>> -> memref<1x2x128xi32, #tpu.memory_space<hbm>>
      %dma_wait3A_81 = tpu.memref_squeeze %dma_wait3A_80 : memref<1x2x128xi32, #tpu.memory_space<hbm>> -> memref<2x128xi32, #tpu.memory_space<hbm>>
      tpu.wait_dma2 semaphore(%arg9 : memref<!tpu.dma_semaphore, #tpu.memory_space<semaphore_mem>>) src(%dma_wait3A_81 : memref<2x128xi32, #tpu.memory_space<hbm>>) dst(%dma_wait3A_77 : memref<2x128xi32, #tpu.memory_space<vmem>>)
      %dma_start3A_82 = arith.constant 0 : i32
      %dma_start3A_83 = arith.constant 0 : i32
      %dma_start3A_84 = arith.constant 0 : i32
      %dma_start3A_85 = arith.constant 0 : i32
      %dma_start3A_86 = tpu.memref_slice %arg7[%dma_start3A_83, %dma_start3A_84, %dma_start3A_85] : memref<2x128x128xf32, #tpu.memory_space<vmem>> -> memref<1x128x128xf32, #tpu.memory_space<vmem>>
      %dma_start3A_87 = tpu.memref_squeeze %dma_start3A_86 : memref<1x128x128xf32, #tpu.memory_space<vmem>> -> memref<128x128xf32, #tpu.memory_space<vmem>>
      %dma_start3A_88 = arith.constant 0 : i32
      %dma_start3A_89 = tpu.memref_slice %arg6[%dma_start3A_82, %dma_start3A_88] : memref<4x128xi32, #tpu.memory_space<vmem>> -> memref<1x128xi32, #tpu.memory_space<vmem>>
      %dma_start3A_90 = tpu.memref_squeeze %dma_start3A_89 : memref<1x128xi32, #tpu.memory_space<vmem>> -> memref<128xi32, #tpu.memory_space<vmem>>
      %dma_start3A_91 = arith.constant 0 : i32
      %dma_start3A_92 = arith.constant 0 : i32
      %dma_start3A_93 = tpu.memref_slice %arg2[%dma_start3A_91, %dma_start3A_92] : memref<10240x128xf32, #tpu.memory_space<hbm>> -> memref<10240x128xf32, #tpu.memory_space<hbm>>
      tpu.enqueue_indirect_dma source(%dma_start3A_93 : memref<10240x128xf32, #tpu.memory_space<hbm>>) target(%dma_start3A_87 : memref<128x128xf32, #tpu.memory_space<vmem>>) offsets(%dma_start3A_90 : memref<128xi32, #tpu.memory_space<vmem>>) semaphore(%arg10 : memref<!tpu.dma_semaphore, #tpu.memory_space<semaphore_mem>>)
      %dma_start3A_94 = arith.constant 2 : i32
      %dma_start3A_95 = arith.constant 1 : i32
      %dma_start3A_96 = arith.constant 0 : i32
      %dma_start3A_97 = arith.constant 0 : i32
      %dma_start3A_98 = tpu.memref_slice %arg7[%dma_start3A_95, %dma_start3A_96, %dma_start3A_97] : memref<2x128x128xf32, #tpu.memory_space<vmem>> -> memref<1x128x128xf32, #tpu.memory_space<vmem>>
      %dma_start3A_99 = tpu.memref_squeeze %dma_start3A_98 : memref<1x128x128xf32, #tpu.memory_space<vmem>> -> memref<128x128xf32, #tpu.memory_space<vmem>>
      %dma_start3A_100 = arith.constant 0 : i32
      %dma_start3A_101 = tpu.memref_slice %arg6[%dma_start3A_94, %dma_start3A_100] : memref<4x128xi32, #tpu.memory_space<vmem>> -> memref<1x128xi32, #tpu.memory_space<vmem>>
      %dma_start3A_102 = tpu.memref_squeeze %dma_start3A_101 : memref<1x128xi32, #tpu.memory_space<vmem>> -> memref<128xi32, #tpu.memory_space<vmem>>
      %dma_start3A_103 = arith.constant 0 : i32
      %dma_start3A_104 = arith.constant 0 : i32
      %dma_start3A_105 = tpu.memref_slice %arg2[%dma_start3A_103, %dma_start3A_104] : memref<10240x128xf32, #tpu.memory_space<hbm>> -> memref<10240x128xf32, #tpu.memory_space<hbm>>
      tpu.enqueue_indirect_dma source(%dma_start3A_105 : memref<10240x128xf32, #tpu.memory_space<hbm>>) target(%dma_start3A_99 : memref<128x128xf32, #tpu.memory_space<vmem>>) offsets(%dma_start3A_102 : memref<128xi32, #tpu.memory_space<vmem>>) semaphore(%arg11 : memref<!tpu.dma_semaphore, #tpu.memory_space<semaphore_mem>>)
      %dma_wait3A_106 = arith.constant 0 : i32
      %dma_wait3A_107 = arith.constant 0 : i32
      %dma_wait3A_108 = arith.constant 0 : i32
      %dma_wait3A_109 = arith.constant 0 : i32
      %dma_wait3A_110 = tpu.memref_slice %arg7[%dma_wait3A_107, %dma_wait3A_108, %dma_wait3A_109] : memref<2x128x128xf32, #tpu.memory_space<vmem>> -> memref<1x128x128xf32, #tpu.memory_space<vmem>>
      %dma_wait3A_111 = tpu.memref_squeeze %dma_wait3A_110 : memref<1x128x128xf32, #tpu.memory_space<vmem>> -> memref<128x128xf32, #tpu.memory_space<vmem>>
      %dma_wait3A_112 = arith.constant 0 : i32
      %dma_wait3A_113 = tpu.memref_slice %arg6[%dma_wait3A_106, %dma_wait3A_112] : memref<4x128xi32, #tpu.memory_space<vmem>> -> memref<1x128xi32, #tpu.memory_space<vmem>>
      %dma_wait3A_114 = tpu.memref_squeeze %dma_wait3A_113 : memref<1x128xi32, #tpu.memory_space<vmem>> -> memref<128xi32, #tpu.memory_space<vmem>>
      %dma_wait3A_115 = arith.constant 0 : i32
      %dma_wait3A_116 = arith.constant 0 : i32
      %dma_wait3A_117 = tpu.memref_slice %arg2[%dma_wait3A_115, %dma_wait3A_116] : memref<10240x128xf32, #tpu.memory_space<hbm>> -> memref<10240x128xf32, #tpu.memory_space<hbm>>
      tpu.wait_indirect_dma semaphore(%arg10 : memref<!tpu.dma_semaphore, #tpu.memory_space<semaphore_mem>>) src(%dma_wait3A_117 : memref<10240x128xf32, #tpu.memory_space<hbm>>) dst(%dma_wait3A_111 : memref<128x128xf32, #tpu.memory_space<vmem>>)
      %run_scoped3A = arith.constant 0 : i32
      %run_scoped3A_118 = arith.constant 1 : i32
      "tpu.region"() ({
        %run_scoped3A_133 = tpu.sem_alloc : memref<!tpu.dma_semaphore, #tpu.memory_space<semaphore_mem>>
        %dma_start3A_134 = arith.constant 0 : i32
        %dma_start3A_135 = arith.constant 0 : i32
        %dma_start3A_136 = tpu.memref_slice %arg7[%run_scoped3A, %dma_start3A_134, %dma_start3A_135] : memref<2x128x128xf32, #tpu.memory_space<vmem>> -> memref<1x128x128xf32, #tpu.memory_space<vmem>>
        %dma_start3A_137 = tpu.memref_squeeze %dma_start3A_136 : memref<1x128x128xf32, #tpu.memory_space<vmem>> -> memref<128x128xf32, #tpu.memory_space<vmem>>
        %dma_start3A_138 = arith.constant 0 : i32
        %dma_start3A_139 = tpu.memref_slice %arg6[%run_scoped3A_118, %dma_start3A_138] : memref<4x128xi32, #tpu.memory_space<vmem>> -> memref<1x128xi32, #tpu.memory_space<vmem>>
        %dma_start3A_140 = tpu.memref_squeeze %dma_start3A_139 : memref<1x128xi32, #tpu.memory_space<vmem>> -> memref<128xi32, #tpu.memory_space<vmem>>
        %dma_start3A_141 = arith.constant 0 : i32
        %dma_start3A_142 = arith.constant 0 : i32
        %dma_start3A_143 = tpu.memref_slice %arg8[%dma_start3A_141, %dma_start3A_142] : memref<10240x128xf32, #tpu.memory_space<vmem_shared>> -> memref<10240x128xf32, #tpu.memory_space<vmem_shared>>
        tpu.enqueue_indirect_dma source(%dma_start3A_137 : memref<128x128xf32, #tpu.memory_space<vmem>>) target(%dma_start3A_143 : memref<10240x128xf32, #tpu.memory_space<vmem_shared>>) offsets(%dma_start3A_140 : memref<128xi32, #tpu.memory_space<vmem>>) semaphore(%run_scoped3A_133 : memref<!tpu.dma_semaphore, #tpu.memory_space<semaphore_mem>>) {add = true}
        %dma_wait3A_144 = arith.constant 0 : i32
        %dma_wait3A_145 = arith.constant 0 : i32
        %dma_wait3A_146 = tpu.memref_slice %arg7[%run_scoped3A, %dma_wait3A_144, %dma_wait3A_145] : memref<2x128x128xf32, #tpu.memory_space<vmem>> -> memref<1x128x128xf32, #tpu.memory_space<vmem>>
        %dma_wait3A_147 = tpu.memref_squeeze %dma_wait3A_146 : memref<1x128x128xf32, #tpu.memory_space<vmem>> -> memref<128x128xf32, #tpu.memory_space<vmem>>
        %dma_wait3A_148 = arith.constant 0 : i32
        %dma_wait3A_149 = tpu.memref_slice %arg6[%run_scoped3A_118, %dma_wait3A_148] : memref<4x128xi32, #tpu.memory_space<vmem>> -> memref<1x128xi32, #tpu.memory_space<vmem>>
        %dma_wait3A_150 = tpu.memref_squeeze %dma_wait3A_149 : memref<1x128xi32, #tpu.memory_space<vmem>> -> memref<128xi32, #tpu.memory_space<vmem>>
        %dma_wait3A_151 = arith.constant 0 : i32
        %dma_wait3A_152 = arith.constant 0 : i32
        %dma_wait3A_153 = tpu.memref_slice %arg8[%dma_wait3A_151, %dma_wait3A_152] : memref<10240x128xf32, #tpu.memory_space<vmem_shared>> -> memref<10240x128xf32, #tpu.memory_space<vmem_shared>>
        tpu.wait_indirect_dma semaphore(%run_scoped3A_133 : memref<!tpu.dma_semaphore, #tpu.memory_space<semaphore_mem>>) src(%dma_wait3A_147 : memref<128x128xf32, #tpu.memory_space<vmem>>) dst(%dma_wait3A_153 : memref<10240x128xf32, #tpu.memory_space<vmem_shared>>)
        tpu.yield
      }) : () -> ()
      %dma_wait3A_119 = arith.constant 2 : i32
      %dma_wait3A_120 = arith.constant 1 : i32
      %dma_wait3A_121 = arith.constant 0 : i32
      %dma_wait3A_122 = arith.constant 0 : i32
      %dma_wait3A_123 = tpu.memref_slice %arg7[%dma_wait3A_120, %dma_wait3A_121, %dma_wait3A_122] : memref<2x128x128xf32, #tpu.memory_space<vmem>> -> memref<1x128x128xf32, #tpu.memory_space<vmem>>
      %dma_wait3A_124 = tpu.memref_squeeze %dma_wait3A_123 : memref<1x128x128xf32, #tpu.memory_space<vmem>> -> memref<128x128xf32, #tpu.memory_space<vmem>>
      %dma_wait3A_125 = arith.constant 0 : i32
      %dma_wait3A_126 = tpu.memref_slice %arg6[%dma_wait3A_119, %dma_wait3A_125] : memref<4x128xi32, #tpu.memory_space<vmem>> -> memref<1x128xi32, #tpu.memory_space<vmem>>
      %dma_wait3A_127 = tpu.memref_squeeze %dma_wait3A_126 : memref<1x128xi32, #tpu.memory_space<vmem>> -> memref<128xi32, #tpu.memory_space<vmem>>
      %dma_wait3A_128 = arith.constant 0 : i32
      %dma_wait3A_129 = arith.constant 0 : i32
      %dma_wait3A_130 = tpu.memref_slice %arg2[%dma_wait3A_128, %dma_wait3A_129] : memref<10240x128xf32, #tpu.memory_space<hbm>> -> memref<10240x128xf32, #tpu.memory_space<hbm>>
      tpu.wait_indirect_dma semaphore(%arg11 : memref<!tpu.dma_semaphore, #tpu.memory_space<semaphore_mem>>) src(%dma_wait3A_130 : memref<10240x128xf32, #tpu.memory_space<hbm>>) dst(%dma_wait3A_124 : memref<128x128xf32, #tpu.memory_space<vmem>>)
      %run_scoped3A_131 = arith.constant 1 : i32
      %run_scoped3A_132 = arith.constant 3 : i32
      "tpu.region"() ({
        %run_scoped3A_133 = tpu.sem_alloc : memref<!tpu.dma_semaphore, #tpu.memory_space<semaphore_mem>>
        %dma_start3A_134 = arith.constant 0 : i32
        %dma_start3A_135 = arith.constant 0 : i32
        %dma_start3A_136 = tpu.memref_slice %arg7[%run_scoped3A_131, %dma_start3A_134, %dma_start3A_135] : memref<2x128x128xf32, #tpu.memory_space<vmem>> -> memref<1x128x128xf32, #tpu.memory_space<vmem>>
        %dma_start3A_137 = tpu.memref_squeeze %dma_start3A_136 : memref<1x128x128xf32, #tpu.memory_space<vmem>> -> memref<128x128xf32, #tpu.memory_space<vmem>>
        %dma_start3A_138 = arith.constant 0 : i32
        %dma_start3A_139 = tpu.memref_slice %arg6[%run_scoped3A_132, %dma_start3A_138] : memref<4x128xi32, #tpu.memory_space<vmem>> -> memref<1x128xi32, #tpu.memory_space<vmem>>
        %dma_start3A_140 = tpu.memref_squeeze %dma_start3A_139 : memref<1x128xi32, #tpu.memory_space<vmem>> -> memref<128xi32, #tpu.memory_space<vmem>>
        %dma_start3A_141 = arith.constant 0 : i32
        %dma_start3A_142 = arith.constant 0 : i32
        %dma_start3A_143 = tpu.memref_slice %arg8[%dma_start3A_141, %dma_start3A_142] : memref<10240x128xf32, #tpu.memory_space<vmem_shared>> -> memref<10240x128xf32, #tpu.memory_space<vmem_shared>>
        tpu.enqueue_indirect_dma source(%dma_start3A_137 : memref<128x128xf32, #tpu.memory_space<vmem>>) target(%dma_start3A_143 : memref<10240x128xf32, #tpu.memory_space<vmem_shared>>) offsets(%dma_start3A_140 : memref<128xi32, #tpu.memory_space<vmem>>) semaphore(%run_scoped3A_133 : memref<!tpu.dma_semaphore, #tpu.memory_space<semaphore_mem>>) {add = true}
        %dma_wait3A_144 = arith.constant 0 : i32
        %dma_wait3A_145 = arith.constant 0 : i32
        %dma_wait3A_146 = tpu.memref_slice %arg7[%run_scoped3A_131, %dma_wait3A_144, %dma_wait3A_145] : memref<2x128x128xf32, #tpu.memory_space<vmem>> -> memref<1x128x128xf32, #tpu.memory_space<vmem>>
        %dma_wait3A_147 = tpu.memref_squeeze %dma_wait3A_146 : memref<1x128x128xf32, #tpu.memory_space<vmem>> -> memref<128x128xf32, #tpu.memory_space<vmem>>
        %dma_wait3A_148 = arith.constant 0 : i32
        %dma_wait3A_149 = tpu.memref_slice %arg6[%run_scoped3A_132, %dma_wait3A_148] : memref<4x128xi32, #tpu.memory_space<vmem>> -> memref<1x128xi32, #tpu.memory_space<vmem>>
        %dma_wait3A_150 = tpu.memref_squeeze %dma_wait3A_149 : memref<1x128xi32, #tpu.memory_space<vmem>> -> memref<128xi32, #tpu.memory_space<vmem>>
        %dma_wait3A_151 = arith.constant 0 : i32
        %dma_wait3A_152 = arith.constant 0 : i32
        %dma_wait3A_153 = tpu.memref_slice %arg8[%dma_wait3A_151, %dma_wait3A_152] : memref<10240x128xf32, #tpu.memory_space<vmem_shared>> -> memref<10240x128xf32, #tpu.memory_space<vmem_shared>>
        tpu.wait_indirect_dma semaphore(%run_scoped3A_133 : memref<!tpu.dma_semaphore, #tpu.memory_space<semaphore_mem>>) src(%dma_wait3A_147 : memref<128x128xf32, #tpu.memory_space<vmem>>) dst(%dma_wait3A_153 : memref<10240x128xf32, #tpu.memory_space<vmem_shared>>)
        tpu.yield
      }) : () -> ()
    }
    %scan3A_8 = arith.constant 40 : i32
    %barrier3A_9 = arith.constant 0 : index
    tpu.barrier barrier_id(%barrier3A_9)
    %mul3A_10 = arith.constant 640 : i32
    %mul3A_11 = arith.muli %arg1, %mul3A_10 : i32
    %mul3A_12 = arith.constant 640 : i32
    %mul3A_13 = arith.muli %arg1, %mul3A_12 : i32
    "tpu.region"() ({
      %run_scoped3A = tpu.sem_alloc : memref<!tpu.dma_semaphore, #tpu.memory_space<semaphore_mem>>
      %dma_start3A = arith.constant 0 : i32
      %dma_start3A_14 = arith.constant 0 : i32
      %dma_start3A_15 = tpu.memref_slice %arg5[%arg0, %dma_start3A, %dma_start3A_14] : memref<2x10240x128xf32, #tpu.memory_space<hbm>> -> memref<1x10240x128xf32, #tpu.memory_space<hbm>>
      %dma_start3A_16 = tpu.memref_squeeze %dma_start3A_15 : memref<1x10240x128xf32, #tpu.memory_space<hbm>> -> memref<10240x128xf32, #tpu.memory_space<hbm>>
      %dma_start3A_17 = arith.constant 0 : i32
      %dma_start3A_18 = tpu.memref_slice %dma_start3A_16[%mul3A_13, %dma_start3A_17] : memref<10240x128xf32, #tpu.memory_space<hbm>> -> memref<640x128xf32, #tpu.memory_space<hbm>>
      %dma_start3A_19 = arith.constant 0 : i32
      %dma_start3A_20 = tpu.memref_slice %arg8[%mul3A_11, %dma_start3A_19] : memref<10240x128xf32, #tpu.memory_space<vmem_shared>> -> memref<640x128xf32, #tpu.memory_space<vmem_shared>>
      tpu.enqueue_dma source(%dma_start3A_20 : memref<640x128xf32, #tpu.memory_space<vmem_shared>>) target(%dma_start3A_18 : memref<640x128xf32, #tpu.memory_space<hbm>>) target_semaphore(%run_scoped3A : memref<!tpu.dma_semaphore, #tpu.memory_space<semaphore_mem>>)
      %dma_wait3A = arith.constant 0 : i32
      %dma_wait3A_21 = arith.constant 0 : i32
      %dma_wait3A_22 = tpu.memref_slice %arg5[%arg0, %dma_wait3A, %dma_wait3A_21] : memref<2x10240x128xf32, #tpu.memory_space<hbm>> -> memref<1x10240x128xf32, #tpu.memory_space<hbm>>
      %dma_wait3A_23 = tpu.memref_squeeze %dma_wait3A_22 : memref<1x10240x128xf32, #tpu.memory_space<hbm>> -> memref<10240x128xf32, #tpu.memory_space<hbm>>
      %dma_wait3A_24 = arith.constant 0 : i32
      %dma_wait3A_25 = tpu.memref_slice %dma_wait3A_23[%mul3A_13, %dma_wait3A_24] : memref<10240x128xf32, #tpu.memory_space<hbm>> -> memref<640x128xf32, #tpu.memory_space<hbm>>
      %dma_wait3A_26 = arith.constant 0 : i32
      %dma_wait3A_27 = tpu.memref_slice %arg8[%mul3A_11, %dma_wait3A_26] : memref<10240x128xf32, #tpu.memory_space<vmem_shared>> -> memref<640x128xf32, #tpu.memory_space<vmem_shared>>
      tpu.wait_dma2 semaphore(%run_scoped3A : memref<!tpu.dma_semaphore, #tpu.memory_space<semaphore_mem>>) src(%dma_wait3A_27 : memref<640x128xf32, #tpu.memory_space<vmem_shared>>) dst(%dma_wait3A_25 : memref<640x128xf32, #tpu.memory_space<hbm>>)
      tpu.yield
    }) : () -> ()
    return
  }
}

#map = affine_map<(d0, d1) -> (0, 0, 0)>
#map1 = affine_map<(d0, d1) -> (0, 0)>
module attributes {stable_mosaic.version = 14 : i64} {
  func.func @_sc_degree(%arg0: i32, %arg1: i32, %arg2: memref<2560x2x128xi32, #tpu.memory_space<hbm>>, %arg3: memref<32x10240xf32, #tpu.memory_space<hbm>>, %arg4: memref<80x2x128xi32, #tpu.memory_space<vmem>>, %arg5: memref<10240xf32, #tpu.memory_space<vmem>>) attributes {dimension_semantics = [#tpu.dimension_semantics<core_parallel>, #tpu.dimension_semantics<subcore_parallel>], iteration_bounds = array<i64: 2, 16>, scalar_prefetch = 0 : i64, scratch_operands = 2 : i64, tpu.core_type = #tpu.core_type<sc_vector_subcore>, window_params = [{transform_indices = #map}, {transform_indices = #map1}]} {
    %mul3A = arith.constant 16 : i32
    %mul3A_0 = arith.muli %arg0, %mul3A : i32
    %add3A = arith.addi %mul3A_0, %arg1 : i32
    %mul3A_1 = arith.constant 80 : i32
    %mul3A_2 = arith.muli %add3A, %mul3A_1 : i32
    "tpu.region"() ({
      %run_scoped3A = tpu.sem_alloc : memref<!tpu.dma_semaphore, #tpu.memory_space<semaphore_mem>>
      %dma_start3A = arith.constant 0 : i32
      %dma_start3A_15 = arith.constant 0 : i32
      %dma_start3A_16 = tpu.memref_slice %arg2[%mul3A_2, %dma_start3A, %dma_start3A_15] : memref<2560x2x128xi32, #tpu.memory_space<hbm>> -> memref<80x2x128xi32, #tpu.memory_space<hbm>>
      %dma_start3A_17 = arith.constant 0 : i32
      %dma_start3A_18 = arith.constant 0 : i32
      %dma_start3A_19 = tpu.memref_slice %arg2[%mul3A_2, %dma_start3A_17, %dma_start3A_18] : memref<2560x2x128xi32, #tpu.memory_space<hbm>> -> memref<80x2x128xi32, #tpu.memory_space<hbm>>
      tpu.enqueue_dma source(%dma_start3A_19 : memref<80x2x128xi32, #tpu.memory_space<hbm>>) target(%arg4 : memref<80x2x128xi32, #tpu.memory_space<vmem>>) target_semaphore(%run_scoped3A : memref<!tpu.dma_semaphore, #tpu.memory_space<semaphore_mem>>)
      %dma_wait3A = arith.constant 0 : i32
      %dma_wait3A_20 = arith.constant 0 : i32
      %dma_wait3A_21 = tpu.memref_slice %arg2[%mul3A_2, %dma_wait3A, %dma_wait3A_20] : memref<2560x2x128xi32, #tpu.memory_space<hbm>> -> memref<80x2x128xi32, #tpu.memory_space<hbm>>
      %dma_wait3A_22 = arith.constant 0 : i32
      %dma_wait3A_23 = arith.constant 0 : i32
      %dma_wait3A_24 = tpu.memref_slice %arg2[%mul3A_2, %dma_wait3A_22, %dma_wait3A_23] : memref<2560x2x128xi32, #tpu.memory_space<hbm>> -> memref<80x2x128xi32, #tpu.memory_space<hbm>>
      tpu.wait_dma2 semaphore(%run_scoped3A : memref<!tpu.dma_semaphore, #tpu.memory_space<semaphore_mem>>) src(%dma_wait3A_24 : memref<80x2x128xi32, #tpu.memory_space<hbm>>) dst(%arg4 : memref<80x2x128xi32, #tpu.memory_space<vmem>>)
      tpu.yield
    }) : () -> ()
    %broadcast_in_dim3A = arith.constant 0.000000e+00 : f32
    %broadcast_in_dim3A_3 = vector.broadcast %broadcast_in_dim3A : f32 to vector<16xf32>
    %scan3A = arith.constant 0 : i32
    %scan3A_4 = arith.constant 640 : i32
    %scan3A_5 = arith.addi %scan3A, %scan3A_4 : i32
    %scan3A_6 = arith.constant 1 : i32
    scf.for %scan3A_15 = %scan3A to %scan3A_5 step %scan3A_6  : i32 {
      %mul3A_16 = arith.constant 1 : i32
      %mul3A_17 = arith.muli %scan3A_15, %mul3A_16 : i32
      %add3A_18 = arith.constant 0 : i32
      %add3A_19 = arith.addi %add3A_18, %mul3A_17 : i32
      %mul3A_20 = arith.constant 16 : i32
      %mul3A_21 = arith.muli %add3A_19, %mul3A_20 : i32
      %swap3A = arith.index_cast %mul3A_21 : i32 to index
      %swap3A_22 = tpu.vector_load %arg5[%swap3A] {strides = array<i32>} : memref<10240xf32, #tpu.memory_space<vmem>>, vector<16xf32>,
      tpu.vector_store %arg5[%swap3A], %broadcast_in_dim3A_3 {strides = array<i32>} : memref<10240xf32, #tpu.memory_space<vmem>>, vector<16xf32>,
    }
    %scan3A_7 = arith.constant 640 : i32
    %broadcast_in_dim3A_8 = arith.constant 1.000000e+00 : f32
    %broadcast_in_dim3A_9 = vector.broadcast %broadcast_in_dim3A_8 : f32 to vector<16xf32>
    %scan3A_10 = arith.constant 0 : i32
    %scan3A_11 = arith.constant 80 : i32
    %scan3A_12 = arith.addi %scan3A_10, %scan3A_11 : i32
    %scan3A_13 = arith.constant 1 : i32
    scf.for %scan3A_15 = %scan3A_10 to %scan3A_12 step %scan3A_13  : i32 {
      %mul3A_16 = arith.constant 1 : i32
      %mul3A_17 = arith.muli %scan3A_15, %mul3A_16 : i32
      %add3A_18 = arith.constant 0 : i32
      %add3A_19 = arith.addi %add3A_18, %mul3A_17 : i32
      %scan3A_20 = arith.constant 0 : i32
      %scan3A_21 = arith.constant 8 : i32
      %scan3A_22 = arith.addi %scan3A_20, %scan3A_21 : i32
      %scan3A_23 = arith.constant 1 : i32
      scf.for %scan3A_25 = %scan3A_20 to %scan3A_22 step %scan3A_23  : i32 {
        %mul3A_26 = arith.constant 1 : i32
        %mul3A_27 = arith.muli %scan3A_25, %mul3A_26 : i32
        %add3A_28 = arith.constant 0 : i32
        %add3A_29 = arith.addi %add3A_28, %mul3A_27 : i32
        %mul3A_30 = arith.constant 16 : i32
        %mul3A_31 = arith.muli %add3A_29, %mul3A_30 : i32
        %get3A = arith.constant 1 : i32
        %get3A_32 = arith.index_cast %add3A_19 : i32 to index
        %get3A_33 = arith.index_cast %get3A : i32 to index
        %get3A_34 = arith.index_cast %mul3A_31 : i32 to index
        %get3A_35 = tpu.vector_load %arg4[%get3A_32, %get3A_33, %get3A_34] {strides = array<i32>} : memref<80x2x128xi32, #tpu.memory_space<vmem>>, vector<16xi32>,
        tpu.vector_store_idx %arg5[%get3A_35], %broadcast_in_dim3A_9 {add = true} : memref<10240xf32, #tpu.memory_space<vmem>>[vector<16xi32>], vector<16xf32>,
      }
      %scan3A_24 = arith.constant 8 : i32
    }
    %scan3A_14 = arith.constant 80 : i32
    "tpu.region"() ({
      %run_scoped3A = tpu.sem_alloc : memref<!tpu.dma_semaphore, #tpu.memory_space<semaphore_mem>>
      %dma_start3A = arith.constant 0 : i32
      %dma_start3A_15 = tpu.memref_slice %arg3[%add3A, %dma_start3A] : memref<32x10240xf32, #tpu.memory_space<hbm>> -> memref<1x10240xf32, #tpu.memory_space<hbm>>
      %dma_start3A_16 = tpu.memref_squeeze %dma_start3A_15 : memref<1x10240xf32, #tpu.memory_space<hbm>> -> memref<10240xf32, #tpu.memory_space<hbm>>
      %dma_start3A_17 = arith.constant 0 : i32
      %dma_start3A_18 = tpu.memref_slice %arg3[%add3A, %dma_start3A_17] : memref<32x10240xf32, #tpu.memory_space<hbm>> -> memref<1x10240xf32, #tpu.memory_space<hbm>>
      %dma_start3A_19 = tpu.memref_squeeze %dma_start3A_18 : memref<1x10240xf32, #tpu.memory_space<hbm>> -> memref<10240xf32, #tpu.memory_space<hbm>>
      tpu.enqueue_dma source(%arg5 : memref<10240xf32, #tpu.memory_space<vmem>>) target(%dma_start3A_19 : memref<10240xf32, #tpu.memory_space<hbm>>) target_semaphore(%run_scoped3A : memref<!tpu.dma_semaphore, #tpu.memory_space<semaphore_mem>>)
      %dma_wait3A = arith.constant 0 : i32
      %dma_wait3A_20 = tpu.memref_slice %arg3[%add3A, %dma_wait3A] : memref<32x10240xf32, #tpu.memory_space<hbm>> -> memref<1x10240xf32, #tpu.memory_space<hbm>>
      %dma_wait3A_21 = tpu.memref_squeeze %dma_wait3A_20 : memref<1x10240xf32, #tpu.memory_space<hbm>> -> memref<10240xf32, #tpu.memory_space<hbm>>
      %dma_wait3A_22 = arith.constant 0 : i32
      %dma_wait3A_23 = tpu.memref_slice %arg3[%add3A, %dma_wait3A_22] : memref<32x10240xf32, #tpu.memory_space<hbm>> -> memref<1x10240xf32, #tpu.memory_space<hbm>>
      %dma_wait3A_24 = tpu.memref_squeeze %dma_wait3A_23 : memref<1x10240xf32, #tpu.memory_space<hbm>> -> memref<10240xf32, #tpu.memory_space<hbm>>
      tpu.wait_dma2 semaphore(%run_scoped3A : memref<!tpu.dma_semaphore, #tpu.memory_space<semaphore_mem>>) src(%arg5 : memref<10240xf32, #tpu.memory_space<vmem>>) dst(%dma_wait3A_24 : memref<10240xf32, #tpu.memory_space<hbm>>)
      tpu.yield
    }) : () -> ()
    return
  }
}

#map = affine_map<(d0, d1) -> (0, 0)>
#map1 = affine_map<(d0, d1) -> (0, 0, 0)>
module attributes {stable_mosaic.version = 14 : i64} {
  func.func @_sc_aggregate(%arg0: i32, %arg1: i32, %arg2: memref<10240x128xf32, #tpu.memory_space<hbm>>, %arg3: memref<2560x2x128xi32, #tpu.memory_space<hbm>>, %arg4: memref<10240x128xf32, #tpu.memory_space<hbm>>, %arg5: memref<2x10240x128xf32, #tpu.memory_space<hbm>>, %arg6: memref<4x128xi32, #tpu.memory_space<vmem>>, %arg7: memref<2x128x128xf32, #tpu.memory_space<vmem>>, %arg8: memref<10240x128xf32, #tpu.memory_space<vmem_shared>>, %arg9: memref<!tpu.dma_semaphore, #tpu.memory_space<semaphore_mem>>, %arg10: memref<!tpu.dma_semaphore, #tpu.memory_space<semaphore_mem>>, %arg11: memref<!tpu.dma_semaphore, #tpu.memory_space<semaphore_mem>>) attributes {dimension_semantics = [#tpu.dimension_semantics<core_parallel>, #tpu.dimension_semantics<subcore_parallel>], iteration_bounds = array<i64: 2, 16>, scalar_prefetch = 0 : i64, scratch_operands = 6 : i64, tpu.core_type = #tpu.core_type<sc_vector_subcore>, window_params = [{transform_indices = #map}, {transform_indices = #map1}, {transform_indices = #map}, {transform_indices = #map1}]} {
    %mul3A = arith.constant 16 : i32
    %mul3A_0 = arith.muli %arg0, %mul3A : i32
    %add3A = arith.addi %mul3A_0, %arg1 : i32
    %mul3A_1 = arith.constant 640 : i32
    %mul3A_2 = arith.muli %arg1, %mul3A_1 : i32
    %mul3A_3 = arith.constant 640 : i32
    %mul3A_4 = arith.muli %arg1, %mul3A_3 : i32
    "tpu.region"() ({
      %run_scoped3A = tpu.sem_alloc : memref<!tpu.dma_semaphore, #tpu.memory_space<semaphore_mem>>
      %dma_start3A = arith.constant 0 : i32
      %dma_start3A_14 = tpu.memref_slice %arg8[%mul3A_4, %dma_start3A] : memref<10240x128xf32, #tpu.memory_space<vmem_shared>> -> memref<640x128xf32, #tpu.memory_space<vmem_shared>>
      %dma_start3A_15 = arith.constant 0 : i32
      %dma_start3A_16 = tpu.memref_slice %arg4[%mul3A_2, %dma_start3A_15] : memref<10240x128xf32, #tpu.memory_space<hbm>> -> memref<640x128xf32, #tpu.memory_space<hbm>>
      tpu.enqueue_dma source(%dma_start3A_16 : memref<640x128xf32, #tpu.memory_space<hbm>>) target(%dma_start3A_14 : memref<640x128xf32, #tpu.memory_space<vmem_shared>>) target_semaphore(%run_scoped3A : memref<!tpu.dma_semaphore, #tpu.memory_space<semaphore_mem>>)
      %dma_wait3A = arith.constant 0 : i32
      %dma_wait3A_17 = tpu.memref_slice %arg8[%mul3A_4, %dma_wait3A] : memref<10240x128xf32, #tpu.memory_space<vmem_shared>> -> memref<640x128xf32, #tpu.memory_space<vmem_shared>>
      %dma_wait3A_18 = arith.constant 0 : i32
      %dma_wait3A_19 = tpu.memref_slice %arg4[%mul3A_2, %dma_wait3A_18] : memref<10240x128xf32, #tpu.memory_space<hbm>> -> memref<640x128xf32, #tpu.memory_space<hbm>>
      tpu.wait_dma2 semaphore(%run_scoped3A : memref<!tpu.dma_semaphore, #tpu.memory_space<semaphore_mem>>) src(%dma_wait3A_19 : memref<640x128xf32, #tpu.memory_space<hbm>>) dst(%dma_wait3A_17 : memref<640x128xf32, #tpu.memory_space<vmem_shared>>)
      tpu.yield
    }) : () -> ()
    %barrier3A = arith.constant 0 : index
    tpu.barrier barrier_id(%barrier3A)
    %scan3A = arith.constant 0 : i32
    %scan3A_5 = arith.constant 40 : i32
    %scan3A_6 = arith.addi %scan3A, %scan3A_5 : i32
    %scan3A_7 = arith.constant 1 : i32
    scf.for %scan3A_14 = %scan3A to %scan3A_6 step %scan3A_7  : i32 {
      %mul3A_15 = arith.constant 1 : i32
      %mul3A_16 = arith.muli %scan3A_14, %mul3A_15 : i32
      %add3A_17 = arith.constant 0 : i32
      %add3A_18 = arith.addi %add3A_17, %mul3A_16 : i32
      %mul3A_19 = arith.constant 80 : i32
      %mul3A_20 = arith.muli %add3A, %mul3A_19 : i32
      %mul3A_21 = arith.constant 2 : i32
      %mul3A_22 = arith.muli %add3A_18, %mul3A_21 : i32
      %add3A_23 = arith.addi %mul3A_20, %mul3A_22 : i32
      %add3A_24 = arith.constant 0 : i32
      %add3A_25 = arith.addi %add3A_23, %add3A_24 : i32
      %dma_start3A = arith.constant 0 : i32
      %dma_start3A_26 = arith.constant 0 : i32
      %dma_start3A_27 = tpu.memref_slice %arg6[%dma_start3A, %dma_start3A_26] : memref<4x128xi32, #tpu.memory_space<vmem>> -> memref<2x128xi32, #tpu.memory_space<vmem>>
      %dma_start3A_28 = arith.constant 0 : i32
      %dma_start3A_29 = arith.constant 0 : i32
      %dma_start3A_30 = tpu.memref_slice %arg3[%add3A_25, %dma_start3A_28, %dma_start3A_29] : memref<2560x2x128xi32, #tpu.memory_space<hbm>> -> memref<1x2x128xi32, #tpu.memory_space<hbm>>
      %dma_start3A_31 = tpu.memref_squeeze %dma_start3A_30 : memref<1x2x128xi32, #tpu.memory_space<hbm>> -> memref<2x128xi32, #tpu.memory_space<hbm>>
      %dma_start3A_32 = arith.constant 0 : i32
      %dma_start3A_33 = arith.constant 0 : i32
      %dma_start3A_34 = tpu.memref_slice %arg6[%dma_start3A_32, %dma_start3A_33] : memref<4x128xi32, #tpu.memory_space<vmem>> -> memref<2x128xi32, #tpu.memory_space<vmem>>
      %dma_start3A_35 = arith.constant 0 : i32
      %dma_start3A_36 = arith.constant 0 : i32
      %dma_start3A_37 = tpu.memref_slice %arg3[%add3A_25, %dma_start3A_35, %dma_start3A_36] : memref<2560x2x128xi32, #tpu.memory_space<hbm>> -> memref<1x2x128xi32, #tpu.memory_space<hbm>>
      %dma_start3A_38 = tpu.memref_squeeze %dma_start3A_37 : memref<1x2x128xi32, #tpu.memory_space<hbm>> -> memref<2x128xi32, #tpu.memory_space<hbm>>
      tpu.enqueue_dma source(%dma_start3A_38 : memref<2x128xi32, #tpu.memory_space<hbm>>) target(%dma_start3A_34 : memref<2x128xi32, #tpu.memory_space<vmem>>) target_semaphore(%arg9 : memref<!tpu.dma_semaphore, #tpu.memory_space<semaphore_mem>>)
      %add3A_39 = arith.constant 1 : i32
      %add3A_40 = arith.addi %add3A_23, %add3A_39 : i32
      %dma_start3A_41 = arith.constant 2 : i32
      %dma_start3A_42 = arith.constant 0 : i32
      %dma_start3A_43 = tpu.memref_slice %arg6[%dma_start3A_41, %dma_start3A_42] : memref<4x128xi32, #tpu.memory_space<vmem>> -> memref<2x128xi32, #tpu.memory_space<vmem>>
      %dma_start3A_44 = arith.constant 0 : i32
      %dma_start3A_45 = arith.constant 0 : i32
      %dma_start3A_46 = tpu.memref_slice %arg3[%add3A_40, %dma_start3A_44, %dma_start3A_45] : memref<2560x2x128xi32, #tpu.memory_space<hbm>> -> memref<1x2x128xi32, #tpu.memory_space<hbm>>
      %dma_start3A_47 = tpu.memref_squeeze %dma_start3A_46 : memref<1x2x128xi32, #tpu.memory_space<hbm>> -> memref<2x128xi32, #tpu.memory_space<hbm>>
      %dma_start3A_48 = arith.constant 2 : i32
      %dma_start3A_49 = arith.constant 0 : i32
      %dma_start3A_50 = tpu.memref_slice %arg6[%dma_start3A_48, %dma_start3A_49] : memref<4x128xi32, #tpu.memory_space<vmem>> -> memref<2x128xi32, #tpu.memory_space<vmem>>
      %dma_start3A_51 = arith.constant 0 : i32
      %dma_start3A_52 = arith.constant 0 : i32
      %dma_start3A_53 = tpu.memref_slice %arg3[%add3A_40, %dma_start3A_51, %dma_start3A_52] : memref<2560x2x128xi32, #tpu.memory_space<hbm>> -> memref<1x2x128xi32, #tpu.memory_space<hbm>>
      %dma_start3A_54 = tpu.memref_squeeze %dma_start3A_53 : memref<1x2x128xi32, #tpu.memory_space<hbm>> -> memref<2x128xi32, #tpu.memory_space<hbm>>
      tpu.enqueue_dma source(%dma_start3A_54 : memref<2x128xi32, #tpu.memory_space<hbm>>) target(%dma_start3A_50 : memref<2x128xi32, #tpu.memory_space<vmem>>) target_semaphore(%arg9 : memref<!tpu.dma_semaphore, #tpu.memory_space<semaphore_mem>>)
      %dma_wait3A = arith.constant 0 : i32
      %dma_wait3A_55 = arith.constant 0 : i32
      %dma_wait3A_56 = tpu.memref_slice %arg6[%dma_wait3A, %dma_wait3A_55] : memref<4x128xi32, #tpu.memory_space<vmem>> -> memref<2x128xi32, #tpu.memory_space<vmem>>
      %dma_wait3A_57 = arith.constant 0 : i32
      %dma_wait3A_58 = arith.constant 0 : i32
      %dma_wait3A_59 = tpu.memref_slice %arg3[%add3A_25, %dma_wait3A_57, %dma_wait3A_58] : memref<2560x2x128xi32, #tpu.memory_space<hbm>> -> memref<1x2x128xi32, #tpu.memory_space<hbm>>
      %dma_wait3A_60 = tpu.memref_squeeze %dma_wait3A_59 : memref<1x2x128xi32, #tpu.memory_space<hbm>> -> memref<2x128xi32, #tpu.memory_space<hbm>>
      %dma_wait3A_61 = arith.constant 0 : i32
      %dma_wait3A_62 = arith.constant 0 : i32
      %dma_wait3A_63 = tpu.memref_slice %arg6[%dma_wait3A_61, %dma_wait3A_62] : memref<4x128xi32, #tpu.memory_space<vmem>> -> memref<2x128xi32, #tpu.memory_space<vmem>>
      %dma_wait3A_64 = arith.constant 0 : i32
      %dma_wait3A_65 = arith.constant 0 : i32
      %dma_wait3A_66 = tpu.memref_slice %arg3[%add3A_25, %dma_wait3A_64, %dma_wait3A_65] : memref<2560x2x128xi32, #tpu.memory_space<hbm>> -> memref<1x2x128xi32, #tpu.memory_space<hbm>>
      %dma_wait3A_67 = tpu.memref_squeeze %dma_wait3A_66 : memref<1x2x128xi32, #tpu.memory_space<hbm>> -> memref<2x128xi32, #tpu.memory_space<hbm>>
      tpu.wait_dma2 semaphore(%arg9 : memref<!tpu.dma_semaphore, #tpu.memory_space<semaphore_mem>>) src(%dma_wait3A_67 : memref<2x128xi32, #tpu.memory_space<hbm>>) dst(%dma_wait3A_63 : memref<2x128xi32, #tpu.memory_space<vmem>>)
      %dma_wait3A_68 = arith.constant 2 : i32
      %dma_wait3A_69 = arith.constant 0 : i32
      %dma_wait3A_70 = tpu.memref_slice %arg6[%dma_wait3A_68, %dma_wait3A_69] : memref<4x128xi32, #tpu.memory_space<vmem>> -> memref<2x128xi32, #tpu.memory_space<vmem>>
      %dma_wait3A_71 = arith.constant 0 : i32
      %dma_wait3A_72 = arith.constant 0 : i32
      %dma_wait3A_73 = tpu.memref_slice %arg3[%add3A_40, %dma_wait3A_71, %dma_wait3A_72] : memref<2560x2x128xi32, #tpu.memory_space<hbm>> -> memref<1x2x128xi32, #tpu.memory_space<hbm>>
      %dma_wait3A_74 = tpu.memref_squeeze %dma_wait3A_73 : memref<1x2x128xi32, #tpu.memory_space<hbm>> -> memref<2x128xi32, #tpu.memory_space<hbm>>
      %dma_wait3A_75 = arith.constant 2 : i32
      %dma_wait3A_76 = arith.constant 0 : i32
      %dma_wait3A_77 = tpu.memref_slice %arg6[%dma_wait3A_75, %dma_wait3A_76] : memref<4x128xi32, #tpu.memory_space<vmem>> -> memref<2x128xi32, #tpu.memory_space<vmem>>
      %dma_wait3A_78 = arith.constant 0 : i32
      %dma_wait3A_79 = arith.constant 0 : i32
      %dma_wait3A_80 = tpu.memref_slice %arg3[%add3A_40, %dma_wait3A_78, %dma_wait3A_79] : memref<2560x2x128xi32, #tpu.memory_space<hbm>> -> memref<1x2x128xi32, #tpu.memory_space<hbm>>
      %dma_wait3A_81 = tpu.memref_squeeze %dma_wait3A_80 : memref<1x2x128xi32, #tpu.memory_space<hbm>> -> memref<2x128xi32, #tpu.memory_space<hbm>>
      tpu.wait_dma2 semaphore(%arg9 : memref<!tpu.dma_semaphore, #tpu.memory_space<semaphore_mem>>) src(%dma_wait3A_81 : memref<2x128xi32, #tpu.memory_space<hbm>>) dst(%dma_wait3A_77 : memref<2x128xi32, #tpu.memory_space<vmem>>)
      %dma_start3A_82 = arith.constant 0 : i32
      %dma_start3A_83 = arith.constant 0 : i32
      %dma_start3A_84 = arith.constant 0 : i32
      %dma_start3A_85 = arith.constant 0 : i32
      %dma_start3A_86 = tpu.memref_slice %arg7[%dma_start3A_83, %dma_start3A_84, %dma_start3A_85] : memref<2x128x128xf32, #tpu.memory_space<vmem>> -> memref<1x128x128xf32, #tpu.memory_space<vmem>>
      %dma_start3A_87 = tpu.memref_squeeze %dma_start3A_86 : memref<1x128x128xf32, #tpu.memory_space<vmem>> -> memref<128x128xf32, #tpu.memory_space<vmem>>
      %dma_start3A_88 = arith.constant 0 : i32
      %dma_start3A_89 = tpu.memref_slice %arg6[%dma_start3A_82, %dma_start3A_88] : memref<4x128xi32, #tpu.memory_space<vmem>> -> memref<1x128xi32, #tpu.memory_space<vmem>>
      %dma_start3A_90 = tpu.memref_squeeze %dma_start3A_89 : memref<1x128xi32, #tpu.memory_space<vmem>> -> memref<128xi32, #tpu.memory_space<vmem>>
      %dma_start3A_91 = arith.constant 0 : i32
      %dma_start3A_92 = arith.constant 0 : i32
      %dma_start3A_93 = tpu.memref_slice %arg2[%dma_start3A_91, %dma_start3A_92] : memref<10240x128xf32, #tpu.memory_space<hbm>> -> memref<10240x128xf32, #tpu.memory_space<hbm>>
      tpu.enqueue_indirect_dma source(%dma_start3A_93 : memref<10240x128xf32, #tpu.memory_space<hbm>>) target(%dma_start3A_87 : memref<128x128xf32, #tpu.memory_space<vmem>>) offsets(%dma_start3A_90 : memref<128xi32, #tpu.memory_space<vmem>>) semaphore(%arg10 : memref<!tpu.dma_semaphore, #tpu.memory_space<semaphore_mem>>)
      %dma_start3A_94 = arith.constant 2 : i32
      %dma_start3A_95 = arith.constant 1 : i32
      %dma_start3A_96 = arith.constant 0 : i32
      %dma_start3A_97 = arith.constant 0 : i32
      %dma_start3A_98 = tpu.memref_slice %arg7[%dma_start3A_95, %dma_start3A_96, %dma_start3A_97] : memref<2x128x128xf32, #tpu.memory_space<vmem>> -> memref<1x128x128xf32, #tpu.memory_space<vmem>>
      %dma_start3A_99 = tpu.memref_squeeze %dma_start3A_98 : memref<1x128x128xf32, #tpu.memory_space<vmem>> -> memref<128x128xf32, #tpu.memory_space<vmem>>
      %dma_start3A_100 = arith.constant 0 : i32
      %dma_start3A_101 = tpu.memref_slice %arg6[%dma_start3A_94, %dma_start3A_100] : memref<4x128xi32, #tpu.memory_space<vmem>> -> memref<1x128xi32, #tpu.memory_space<vmem>>
      %dma_start3A_102 = tpu.memref_squeeze %dma_start3A_101 : memref<1x128xi32, #tpu.memory_space<vmem>> -> memref<128xi32, #tpu.memory_space<vmem>>
      %dma_start3A_103 = arith.constant 0 : i32
      %dma_start3A_104 = arith.constant 0 : i32
      %dma_start3A_105 = tpu.memref_slice %arg2[%dma_start3A_103, %dma_start3A_104] : memref<10240x128xf32, #tpu.memory_space<hbm>> -> memref<10240x128xf32, #tpu.memory_space<hbm>>
      tpu.enqueue_indirect_dma source(%dma_start3A_105 : memref<10240x128xf32, #tpu.memory_space<hbm>>) target(%dma_start3A_99 : memref<128x128xf32, #tpu.memory_space<vmem>>) offsets(%dma_start3A_102 : memref<128xi32, #tpu.memory_space<vmem>>) semaphore(%arg11 : memref<!tpu.dma_semaphore, #tpu.memory_space<semaphore_mem>>)
      %dma_wait3A_106 = arith.constant 0 : i32
      %dma_wait3A_107 = arith.constant 0 : i32
      %dma_wait3A_108 = arith.constant 0 : i32
      %dma_wait3A_109 = arith.constant 0 : i32
      %dma_wait3A_110 = tpu.memref_slice %arg7[%dma_wait3A_107, %dma_wait3A_108, %dma_wait3A_109] : memref<2x128x128xf32, #tpu.memory_space<vmem>> -> memref<1x128x128xf32, #tpu.memory_space<vmem>>
      %dma_wait3A_111 = tpu.memref_squeeze %dma_wait3A_110 : memref<1x128x128xf32, #tpu.memory_space<vmem>> -> memref<128x128xf32, #tpu.memory_space<vmem>>
      %dma_wait3A_112 = arith.constant 0 : i32
      %dma_wait3A_113 = tpu.memref_slice %arg6[%dma_wait3A_106, %dma_wait3A_112] : memref<4x128xi32, #tpu.memory_space<vmem>> -> memref<1x128xi32, #tpu.memory_space<vmem>>
      %dma_wait3A_114 = tpu.memref_squeeze %dma_wait3A_113 : memref<1x128xi32, #tpu.memory_space<vmem>> -> memref<128xi32, #tpu.memory_space<vmem>>
      %dma_wait3A_115 = arith.constant 0 : i32
      %dma_wait3A_116 = arith.constant 0 : i32
      %dma_wait3A_117 = tpu.memref_slice %arg2[%dma_wait3A_115, %dma_wait3A_116] : memref<10240x128xf32, #tpu.memory_space<hbm>> -> memref<10240x128xf32, #tpu.memory_space<hbm>>
      tpu.wait_indirect_dma semaphore(%arg10 : memref<!tpu.dma_semaphore, #tpu.memory_space<semaphore_mem>>) src(%dma_wait3A_117 : memref<10240x128xf32, #tpu.memory_space<hbm>>) dst(%dma_wait3A_111 : memref<128x128xf32, #tpu.memory_space<vmem>>)
      %run_scoped3A = arith.constant 0 : i32
      %run_scoped3A_118 = arith.constant 1 : i32
      "tpu.region"() ({
        %run_scoped3A_133 = tpu.sem_alloc : memref<!tpu.dma_semaphore, #tpu.memory_space<semaphore_mem>>
        %dma_start3A_134 = arith.constant 0 : i32
        %dma_start3A_135 = arith.constant 0 : i32
        %dma_start3A_136 = tpu.memref_slice %arg7[%run_scoped3A, %dma_start3A_134, %dma_start3A_135] : memref<2x128x128xf32, #tpu.memory_space<vmem>> -> memref<1x128x128xf32, #tpu.memory_space<vmem>>
        %dma_start3A_137 = tpu.memref_squeeze %dma_start3A_136 : memref<1x128x128xf32, #tpu.memory_space<vmem>> -> memref<128x128xf32, #tpu.memory_space<vmem>>
        %dma_start3A_138 = arith.constant 0 : i32
        %dma_start3A_139 = tpu.memref_slice %arg6[%run_scoped3A_118, %dma_start3A_138] : memref<4x128xi32, #tpu.memory_space<vmem>> -> memref<1x128xi32, #tpu.memory_space<vmem>>
        %dma_start3A_140 = tpu.memref_squeeze %dma_start3A_139 : memref<1x128xi32, #tpu.memory_space<vmem>> -> memref<128xi32, #tpu.memory_space<vmem>>
        %dma_start3A_141 = arith.constant 0 : i32
        %dma_start3A_142 = arith.constant 0 : i32
        %dma_start3A_143 = tpu.memref_slice %arg8[%dma_start3A_141, %dma_start3A_142] : memref<10240x128xf32, #tpu.memory_space<vmem_shared>> -> memref<10240x128xf32, #tpu.memory_space<vmem_shared>>
        tpu.enqueue_indirect_dma source(%dma_start3A_137 : memref<128x128xf32, #tpu.memory_space<vmem>>) target(%dma_start3A_143 : memref<10240x128xf32, #tpu.memory_space<vmem_shared>>) offsets(%dma_start3A_140 : memref<128xi32, #tpu.memory_space<vmem>>) semaphore(%run_scoped3A_133 : memref<!tpu.dma_semaphore, #tpu.memory_space<semaphore_mem>>) {add = true}
        %dma_wait3A_144 = arith.constant 0 : i32
        %dma_wait3A_145 = arith.constant 0 : i32
        %dma_wait3A_146 = tpu.memref_slice %arg7[%run_scoped3A, %dma_wait3A_144, %dma_wait3A_145] : memref<2x128x128xf32, #tpu.memory_space<vmem>> -> memref<1x128x128xf32, #tpu.memory_space<vmem>>
        %dma_wait3A_147 = tpu.memref_squeeze %dma_wait3A_146 : memref<1x128x128xf32, #tpu.memory_space<vmem>> -> memref<128x128xf32, #tpu.memory_space<vmem>>
        %dma_wait3A_148 = arith.constant 0 : i32
        %dma_wait3A_149 = tpu.memref_slice %arg6[%run_scoped3A_118, %dma_wait3A_148] : memref<4x128xi32, #tpu.memory_space<vmem>> -> memref<1x128xi32, #tpu.memory_space<vmem>>
        %dma_wait3A_150 = tpu.memref_squeeze %dma_wait3A_149 : memref<1x128xi32, #tpu.memory_space<vmem>> -> memref<128xi32, #tpu.memory_space<vmem>>
        %dma_wait3A_151 = arith.constant 0 : i32
        %dma_wait3A_152 = arith.constant 0 : i32
        %dma_wait3A_153 = tpu.memref_slice %arg8[%dma_wait3A_151, %dma_wait3A_152] : memref<10240x128xf32, #tpu.memory_space<vmem_shared>> -> memref<10240x128xf32, #tpu.memory_space<vmem_shared>>
        tpu.wait_indirect_dma semaphore(%run_scoped3A_133 : memref<!tpu.dma_semaphore, #tpu.memory_space<semaphore_mem>>) src(%dma_wait3A_147 : memref<128x128xf32, #tpu.memory_space<vmem>>) dst(%dma_wait3A_153 : memref<10240x128xf32, #tpu.memory_space<vmem_shared>>)
        tpu.yield
      }) : () -> ()
      %dma_wait3A_119 = arith.constant 2 : i32
      %dma_wait3A_120 = arith.constant 1 : i32
      %dma_wait3A_121 = arith.constant 0 : i32
      %dma_wait3A_122 = arith.constant 0 : i32
      %dma_wait3A_123 = tpu.memref_slice %arg7[%dma_wait3A_120, %dma_wait3A_121, %dma_wait3A_122] : memref<2x128x128xf32, #tpu.memory_space<vmem>> -> memref<1x128x128xf32, #tpu.memory_space<vmem>>
      %dma_wait3A_124 = tpu.memref_squeeze %dma_wait3A_123 : memref<1x128x128xf32, #tpu.memory_space<vmem>> -> memref<128x128xf32, #tpu.memory_space<vmem>>
      %dma_wait3A_125 = arith.constant 0 : i32
      %dma_wait3A_126 = tpu.memref_slice %arg6[%dma_wait3A_119, %dma_wait3A_125] : memref<4x128xi32, #tpu.memory_space<vmem>> -> memref<1x128xi32, #tpu.memory_space<vmem>>
      %dma_wait3A_127 = tpu.memref_squeeze %dma_wait3A_126 : memref<1x128xi32, #tpu.memory_space<vmem>> -> memref<128xi32, #tpu.memory_space<vmem>>
      %dma_wait3A_128 = arith.constant 0 : i32
      %dma_wait3A_129 = arith.constant 0 : i32
      %dma_wait3A_130 = tpu.memref_slice %arg2[%dma_wait3A_128, %dma_wait3A_129] : memref<10240x128xf32, #tpu.memory_space<hbm>> -> memref<10240x128xf32, #tpu.memory_space<hbm>>
      tpu.wait_indirect_dma semaphore(%arg11 : memref<!tpu.dma_semaphore, #tpu.memory_space<semaphore_mem>>) src(%dma_wait3A_130 : memref<10240x128xf32, #tpu.memory_space<hbm>>) dst(%dma_wait3A_124 : memref<128x128xf32, #tpu.memory_space<vmem>>)
      %run_scoped3A_131 = arith.constant 1 : i32
      %run_scoped3A_132 = arith.constant 3 : i32
      "tpu.region"() ({
        %run_scoped3A_133 = tpu.sem_alloc : memref<!tpu.dma_semaphore, #tpu.memory_space<semaphore_mem>>
        %dma_start3A_134 = arith.constant 0 : i32
        %dma_start3A_135 = arith.constant 0 : i32
        %dma_start3A_136 = tpu.memref_slice %arg7[%run_scoped3A_131, %dma_start3A_134, %dma_start3A_135] : memref<2x128x128xf32, #tpu.memory_space<vmem>> -> memref<1x128x128xf32, #tpu.memory_space<vmem>>
        %dma_start3A_137 = tpu.memref_squeeze %dma_start3A_136 : memref<1x128x128xf32, #tpu.memory_space<vmem>> -> memref<128x128xf32, #tpu.memory_space<vmem>>
        %dma_start3A_138 = arith.constant 0 : i32
        %dma_start3A_139 = tpu.memref_slice %arg6[%run_scoped3A_132, %dma_start3A_138] : memref<4x128xi32, #tpu.memory_space<vmem>> -> memref<1x128xi32, #tpu.memory_space<vmem>>
        %dma_start3A_140 = tpu.memref_squeeze %dma_start3A_139 : memref<1x128xi32, #tpu.memory_space<vmem>> -> memref<128xi32, #tpu.memory_space<vmem>>
        %dma_start3A_141 = arith.constant 0 : i32
        %dma_start3A_142 = arith.constant 0 : i32
        %dma_start3A_143 = tpu.memref_slice %arg8[%dma_start3A_141, %dma_start3A_142] : memref<10240x128xf32, #tpu.memory_space<vmem_shared>> -> memref<10240x128xf32, #tpu.memory_space<vmem_shared>>
        tpu.enqueue_indirect_dma source(%dma_start3A_137 : memref<128x128xf32, #tpu.memory_space<vmem>>) target(%dma_start3A_143 : memref<10240x128xf32, #tpu.memory_space<vmem_shared>>) offsets(%dma_start3A_140 : memref<128xi32, #tpu.memory_space<vmem>>) semaphore(%run_scoped3A_133 : memref<!tpu.dma_semaphore, #tpu.memory_space<semaphore_mem>>) {add = true}
        %dma_wait3A_144 = arith.constant 0 : i32
        %dma_wait3A_145 = arith.constant 0 : i32
        %dma_wait3A_146 = tpu.memref_slice %arg7[%run_scoped3A_131, %dma_wait3A_144, %dma_wait3A_145] : memref<2x128x128xf32, #tpu.memory_space<vmem>> -> memref<1x128x128xf32, #tpu.memory_space<vmem>>
        %dma_wait3A_147 = tpu.memref_squeeze %dma_wait3A_146 : memref<1x128x128xf32, #tpu.memory_space<vmem>> -> memref<128x128xf32, #tpu.memory_space<vmem>>
        %dma_wait3A_148 = arith.constant 0 : i32
        %dma_wait3A_149 = tpu.memref_slice %arg6[%run_scoped3A_132, %dma_wait3A_148] : memref<4x128xi32, #tpu.memory_space<vmem>> -> memref<1x128xi32, #tpu.memory_space<vmem>>
        %dma_wait3A_150 = tpu.memref_squeeze %dma_wait3A_149 : memref<1x128xi32, #tpu.memory_space<vmem>> -> memref<128xi32, #tpu.memory_space<vmem>>
        %dma_wait3A_151 = arith.constant 0 : i32
        %dma_wait3A_152 = arith.constant 0 : i32
        %dma_wait3A_153 = tpu.memref_slice %arg8[%dma_wait3A_151, %dma_wait3A_152] : memref<10240x128xf32, #tpu.memory_space<vmem_shared>> -> memref<10240x128xf32, #tpu.memory_space<vmem_shared>>
        tpu.wait_indirect_dma semaphore(%run_scoped3A_133 : memref<!tpu.dma_semaphore, #tpu.memory_space<semaphore_mem>>) src(%dma_wait3A_147 : memref<128x128xf32, #tpu.memory_space<vmem>>) dst(%dma_wait3A_153 : memref<10240x128xf32, #tpu.memory_space<vmem_shared>>)
        tpu.yield
      }) : () -> ()
    }
    %scan3A_8 = arith.constant 40 : i32
    %barrier3A_9 = arith.constant 0 : index
    tpu.barrier barrier_id(%barrier3A_9)
    %mul3A_10 = arith.constant 640 : i32
    %mul3A_11 = arith.muli %arg1, %mul3A_10 : i32
    %mul3A_12 = arith.constant 640 : i32
    %mul3A_13 = arith.muli %arg1, %mul3A_12 : i32
    "tpu.region"() ({
      %run_scoped3A = tpu.sem_alloc : memref<!tpu.dma_semaphore, #tpu.memory_space<semaphore_mem>>
      %dma_start3A = arith.constant 0 : i32
      %dma_start3A_14 = arith.constant 0 : i32
      %dma_start3A_15 = tpu.memref_slice %arg5[%arg0, %dma_start3A, %dma_start3A_14] : memref<2x10240x128xf32, #tpu.memory_space<hbm>> -> memref<1x10240x128xf32, #tpu.memory_space<hbm>>
      %dma_start3A_16 = tpu.memref_squeeze %dma_start3A_15 : memref<1x10240x128xf32, #tpu.memory_space<hbm>> -> memref<10240x128xf32, #tpu.memory_space<hbm>>
      %dma_start3A_17 = arith.constant 0 : i32
      %dma_start3A_18 = tpu.memref_slice %dma_start3A_16[%mul3A_13, %dma_start3A_17] : memref<10240x128xf32, #tpu.memory_space<hbm>> -> memref<640x128xf32, #tpu.memory_space<hbm>>
      %dma_start3A_19 = arith.constant 0 : i32
      %dma_start3A_20 = tpu.memref_slice %arg8[%mul3A_11, %dma_start3A_19] : memref<10240x128xf32, #tpu.memory_space<vmem_shared>> -> memref<640x128xf32, #tpu.memory_space<vmem_shared>>
      tpu.enqueue_dma source(%dma_start3A_20 : memref<640x128xf32, #tpu.memory_space<vmem_shared>>) target(%dma_start3A_18 : memref<640x128xf32, #tpu.memory_space<hbm>>) target_semaphore(%run_scoped3A : memref<!tpu.dma_semaphore, #tpu.memory_space<semaphore_mem>>)
      %dma_wait3A = arith.constant 0 : i32
      %dma_wait3A_21 = arith.constant 0 : i32
      %dma_wait3A_22 = tpu.memref_slice %arg5[%arg0, %dma_wait3A, %dma_wait3A_21] : memref<2x10240x128xf32, #tpu.memory_space<hbm>> -> memref<1x10240x128xf32, #tpu.memory_space<hbm>>
      %dma_wait3A_23 = tpu.memref_squeeze %dma_wait3A_22 : memref<1x10240x128xf32, #tpu.memory_space<hbm>> -> memref<10240x128xf32, #tpu.memory_space<hbm>>
      %dma_wait3A_24 = arith.constant 0 : i32
      %dma_wait3A_25 = tpu.memref_slice %dma_wait3A_23[%mul3A_13, %dma_wait3A_24] : memref<10240x128xf32, #tpu.memory_space<hbm>> -> memref<640x128xf32, #tpu.memory_space<hbm>>
      %dma_wait3A_26 = arith.constant 0 : i32
      %dma_wait3A_27 = tpu.memref_slice %arg8[%mul3A_11, %dma_wait3A_26] : memref<10240x128xf32, #tpu.memory_space<vmem_shared>> -> memref<640x128xf32, #tpu.memory_space<vmem_shared>>
      tpu.wait_dma2 semaphore(%run_scoped3A : memref<!tpu.dma_semaphore, #tpu.memory_space<semaphore_mem>>) src(%dma_wait3A_27 : memref<640x128xf32, #tpu.memory_space<vmem_shared>>) dst(%dma_wait3A_25 : memref<640x128xf32, #tpu.memory_space<hbm>>)
      tpu.yield
    }) : () -> ()
    return
  }
}

#map = affine_map<(d0, d1) -> (0, 0)>
#map1 = affine_map<(d0, d1) -> (0, 0, 0)>
module attributes {stable_mosaic.version = 14 : i64} {
  func.func @_sc_aggregate(%arg0: i32, %arg1: i32, %arg2: memref<10240x128xf32, #tpu.memory_space<hbm>>, %arg3: memref<2560x2x128xi32, #tpu.memory_space<hbm>>, %arg4: memref<10240x128xf32, #tpu.memory_space<hbm>>, %arg5: memref<2x10240x128xf32, #tpu.memory_space<hbm>>, %arg6: memref<4x128xi32, #tpu.memory_space<vmem>>, %arg7: memref<2x128x128xf32, #tpu.memory_space<vmem>>, %arg8: memref<10240x128xf32, #tpu.memory_space<vmem_shared>>, %arg9: memref<!tpu.dma_semaphore, #tpu.memory_space<semaphore_mem>>, %arg10: memref<!tpu.dma_semaphore, #tpu.memory_space<semaphore_mem>>, %arg11: memref<!tpu.dma_semaphore, #tpu.memory_space<semaphore_mem>>) attributes {dimension_semantics = [#tpu.dimension_semantics<core_parallel>, #tpu.dimension_semantics<subcore_parallel>], iteration_bounds = array<i64: 2, 16>, scalar_prefetch = 0 : i64, scratch_operands = 6 : i64, tpu.core_type = #tpu.core_type<sc_vector_subcore>, window_params = [{transform_indices = #map}, {transform_indices = #map1}, {transform_indices = #map}, {transform_indices = #map1}]} {
    %mul3A = arith.constant 16 : i32
    %mul3A_0 = arith.muli %arg0, %mul3A : i32
    %add3A = arith.addi %mul3A_0, %arg1 : i32
    %mul3A_1 = arith.constant 640 : i32
    %mul3A_2 = arith.muli %arg1, %mul3A_1 : i32
    %mul3A_3 = arith.constant 640 : i32
    %mul3A_4 = arith.muli %arg1, %mul3A_3 : i32
    "tpu.region"() ({
      %run_scoped3A = tpu.sem_alloc : memref<!tpu.dma_semaphore, #tpu.memory_space<semaphore_mem>>
      %dma_start3A = arith.constant 0 : i32
      %dma_start3A_14 = tpu.memref_slice %arg8[%mul3A_4, %dma_start3A] : memref<10240x128xf32, #tpu.memory_space<vmem_shared>> -> memref<640x128xf32, #tpu.memory_space<vmem_shared>>
      %dma_start3A_15 = arith.constant 0 : i32
      %dma_start3A_16 = tpu.memref_slice %arg4[%mul3A_2, %dma_start3A_15] : memref<10240x128xf32, #tpu.memory_space<hbm>> -> memref<640x128xf32, #tpu.memory_space<hbm>>
      tpu.enqueue_dma source(%dma_start3A_16 : memref<640x128xf32, #tpu.memory_space<hbm>>) target(%dma_start3A_14 : memref<640x128xf32, #tpu.memory_space<vmem_shared>>) target_semaphore(%run_scoped3A : memref<!tpu.dma_semaphore, #tpu.memory_space<semaphore_mem>>)
      %dma_wait3A = arith.constant 0 : i32
      %dma_wait3A_17 = tpu.memref_slice %arg8[%mul3A_4, %dma_wait3A] : memref<10240x128xf32, #tpu.memory_space<vmem_shared>> -> memref<640x128xf32, #tpu.memory_space<vmem_shared>>
      %dma_wait3A_18 = arith.constant 0 : i32
      %dma_wait3A_19 = tpu.memref_slice %arg4[%mul3A_2, %dma_wait3A_18] : memref<10240x128xf32, #tpu.memory_space<hbm>> -> memref<640x128xf32, #tpu.memory_space<hbm>>
      tpu.wait_dma2 semaphore(%run_scoped3A : memref<!tpu.dma_semaphore, #tpu.memory_space<semaphore_mem>>) src(%dma_wait3A_19 : memref<640x128xf32, #tpu.memory_space<hbm>>) dst(%dma_wait3A_17 : memref<640x128xf32, #tpu.memory_space<vmem_shared>>)
      tpu.yield
    }) : () -> ()
    %barrier3A = arith.constant 0 : index
    tpu.barrier barrier_id(%barrier3A)
    %scan3A = arith.constant 0 : i32
    %scan3A_5 = arith.constant 40 : i32
    %scan3A_6 = arith.addi %scan3A, %scan3A_5 : i32
    %scan3A_7 = arith.constant 1 : i32
    scf.for %scan3A_14 = %scan3A to %scan3A_6 step %scan3A_7  : i32 {
      %mul3A_15 = arith.constant 1 : i32
      %mul3A_16 = arith.muli %scan3A_14, %mul3A_15 : i32
      %add3A_17 = arith.constant 0 : i32
      %add3A_18 = arith.addi %add3A_17, %mul3A_16 : i32
      %mul3A_19 = arith.constant 80 : i32
      %mul3A_20 = arith.muli %add3A, %mul3A_19 : i32
      %mul3A_21 = arith.constant 2 : i32
      %mul3A_22 = arith.muli %add3A_18, %mul3A_21 : i32
      %add3A_23 = arith.addi %mul3A_20, %mul3A_22 : i32
      %add3A_24 = arith.constant 0 : i32
      %add3A_25 = arith.addi %add3A_23, %add3A_24 : i32
      %dma_start3A = arith.constant 0 : i32
      %dma_start3A_26 = arith.constant 0 : i32
      %dma_start3A_27 = tpu.memref_slice %arg6[%dma_start3A, %dma_start3A_26] : memref<4x128xi32, #tpu.memory_space<vmem>> -> memref<2x128xi32, #tpu.memory_space<vmem>>
      %dma_start3A_28 = arith.constant 0 : i32
      %dma_start3A_29 = arith.constant 0 : i32
      %dma_start3A_30 = tpu.memref_slice %arg3[%add3A_25, %dma_start3A_28, %dma_start3A_29] : memref<2560x2x128xi32, #tpu.memory_space<hbm>> -> memref<1x2x128xi32, #tpu.memory_space<hbm>>
      %dma_start3A_31 = tpu.memref_squeeze %dma_start3A_30 : memref<1x2x128xi32, #tpu.memory_space<hbm>> -> memref<2x128xi32, #tpu.memory_space<hbm>>
      %dma_start3A_32 = arith.constant 0 : i32
      %dma_start3A_33 = arith.constant 0 : i32
      %dma_start3A_34 = tpu.memref_slice %arg6[%dma_start3A_32, %dma_start3A_33] : memref<4x128xi32, #tpu.memory_space<vmem>> -> memref<2x128xi32, #tpu.memory_space<vmem>>
      %dma_start3A_35 = arith.constant 0 : i32
      %dma_start3A_36 = arith.constant 0 : i32
      %dma_start3A_37 = tpu.memref_slice %arg3[%add3A_25, %dma_start3A_35, %dma_start3A_36] : memref<2560x2x128xi32, #tpu.memory_space<hbm>> -> memref<1x2x128xi32, #tpu.memory_space<hbm>>
      %dma_start3A_38 = tpu.memref_squeeze %dma_start3A_37 : memref<1x2x128xi32, #tpu.memory_space<hbm>> -> memref<2x128xi32, #tpu.memory_space<hbm>>
      tpu.enqueue_dma source(%dma_start3A_38 : memref<2x128xi32, #tpu.memory_space<hbm>>) target(%dma_start3A_34 : memref<2x128xi32, #tpu.memory_space<vmem>>) target_semaphore(%arg9 : memref<!tpu.dma_semaphore, #tpu.memory_space<semaphore_mem>>)
      %add3A_39 = arith.constant 1 : i32
      %add3A_40 = arith.addi %add3A_23, %add3A_39 : i32
      %dma_start3A_41 = arith.constant 2 : i32
      %dma_start3A_42 = arith.constant 0 : i32
      %dma_start3A_43 = tpu.memref_slice %arg6[%dma_start3A_41, %dma_start3A_42] : memref<4x128xi32, #tpu.memory_space<vmem>> -> memref<2x128xi32, #tpu.memory_space<vmem>>
      %dma_start3A_44 = arith.constant 0 : i32
      %dma_start3A_45 = arith.constant 0 : i32
      %dma_start3A_46 = tpu.memref_slice %arg3[%add3A_40, %dma_start3A_44, %dma_start3A_45] : memref<2560x2x128xi32, #tpu.memory_space<hbm>> -> memref<1x2x128xi32, #tpu.memory_space<hbm>>
      %dma_start3A_47 = tpu.memref_squeeze %dma_start3A_46 : memref<1x2x128xi32, #tpu.memory_space<hbm>> -> memref<2x128xi32, #tpu.memory_space<hbm>>
      %dma_start3A_48 = arith.constant 2 : i32
      %dma_start3A_49 = arith.constant 0 : i32
      %dma_start3A_50 = tpu.memref_slice %arg6[%dma_start3A_48, %dma_start3A_49] : memref<4x128xi32, #tpu.memory_space<vmem>> -> memref<2x128xi32, #tpu.memory_space<vmem>>
      %dma_start3A_51 = arith.constant 0 : i32
      %dma_start3A_52 = arith.constant 0 : i32
      %dma_start3A_53 = tpu.memref_slice %arg3[%add3A_40, %dma_start3A_51, %dma_start3A_52] : memref<2560x2x128xi32, #tpu.memory_space<hbm>> -> memref<1x2x128xi32, #tpu.memory_space<hbm>>
      %dma_start3A_54 = tpu.memref_squeeze %dma_start3A_53 : memref<1x2x128xi32, #tpu.memory_space<hbm>> -> memref<2x128xi32, #tpu.memory_space<hbm>>
      tpu.enqueue_dma source(%dma_start3A_54 : memref<2x128xi32, #tpu.memory_space<hbm>>) target(%dma_start3A_50 : memref<2x128xi32, #tpu.memory_space<vmem>>) target_semaphore(%arg9 : memref<!tpu.dma_semaphore, #tpu.memory_space<semaphore_mem>>)
      %dma_wait3A = arith.constant 0 : i32
      %dma_wait3A_55 = arith.constant 0 : i32
      %dma_wait3A_56 = tpu.memref_slice %arg6[%dma_wait3A, %dma_wait3A_55] : memref<4x128xi32, #tpu.memory_space<vmem>> -> memref<2x128xi32, #tpu.memory_space<vmem>>
      %dma_wait3A_57 = arith.constant 0 : i32
      %dma_wait3A_58 = arith.constant 0 : i32
      %dma_wait3A_59 = tpu.memref_slice %arg3[%add3A_25, %dma_wait3A_57, %dma_wait3A_58] : memref<2560x2x128xi32, #tpu.memory_space<hbm>> -> memref<1x2x128xi32, #tpu.memory_space<hbm>>
      %dma_wait3A_60 = tpu.memref_squeeze %dma_wait3A_59 : memref<1x2x128xi32, #tpu.memory_space<hbm>> -> memref<2x128xi32, #tpu.memory_space<hbm>>
      %dma_wait3A_61 = arith.constant 0 : i32
      %dma_wait3A_62 = arith.constant 0 : i32
      %dma_wait3A_63 = tpu.memref_slice %arg6[%dma_wait3A_61, %dma_wait3A_62] : memref<4x128xi32, #tpu.memory_space<vmem>> -> memref<2x128xi32, #tpu.memory_space<vmem>>
      %dma_wait3A_64 = arith.constant 0 : i32
      %dma_wait3A_65 = arith.constant 0 : i32
      %dma_wait3A_66 = tpu.memref_slice %arg3[%add3A_25, %dma_wait3A_64, %dma_wait3A_65] : memref<2560x2x128xi32, #tpu.memory_space<hbm>> -> memref<1x2x128xi32, #tpu.memory_space<hbm>>
      %dma_wait3A_67 = tpu.memref_squeeze %dma_wait3A_66 : memref<1x2x128xi32, #tpu.memory_space<hbm>> -> memref<2x128xi32, #tpu.memory_space<hbm>>
      tpu.wait_dma2 semaphore(%arg9 : memref<!tpu.dma_semaphore, #tpu.memory_space<semaphore_mem>>) src(%dma_wait3A_67 : memref<2x128xi32, #tpu.memory_space<hbm>>) dst(%dma_wait3A_63 : memref<2x128xi32, #tpu.memory_space<vmem>>)
      %dma_wait3A_68 = arith.constant 2 : i32
      %dma_wait3A_69 = arith.constant 0 : i32
      %dma_wait3A_70 = tpu.memref_slice %arg6[%dma_wait3A_68, %dma_wait3A_69] : memref<4x128xi32, #tpu.memory_space<vmem>> -> memref<2x128xi32, #tpu.memory_space<vmem>>
      %dma_wait3A_71 = arith.constant 0 : i32
      %dma_wait3A_72 = arith.constant 0 : i32
      %dma_wait3A_73 = tpu.memref_slice %arg3[%add3A_40, %dma_wait3A_71, %dma_wait3A_72] : memref<2560x2x128xi32, #tpu.memory_space<hbm>> -> memref<1x2x128xi32, #tpu.memory_space<hbm>>
      %dma_wait3A_74 = tpu.memref_squeeze %dma_wait3A_73 : memref<1x2x128xi32, #tpu.memory_space<hbm>> -> memref<2x128xi32, #tpu.memory_space<hbm>>
      %dma_wait3A_75 = arith.constant 2 : i32
      %dma_wait3A_76 = arith.constant 0 : i32
      %dma_wait3A_77 = tpu.memref_slice %arg6[%dma_wait3A_75, %dma_wait3A_76] : memref<4x128xi32, #tpu.memory_space<vmem>> -> memref<2x128xi32, #tpu.memory_space<vmem>>
      %dma_wait3A_78 = arith.constant 0 : i32
      %dma_wait3A_79 = arith.constant 0 : i32
      %dma_wait3A_80 = tpu.memref_slice %arg3[%add3A_40, %dma_wait3A_78, %dma_wait3A_79] : memref<2560x2x128xi32, #tpu.memory_space<hbm>> -> memref<1x2x128xi32, #tpu.memory_space<hbm>>
      %dma_wait3A_81 = tpu.memref_squeeze %dma_wait3A_80 : memref<1x2x128xi32, #tpu.memory_space<hbm>> -> memref<2x128xi32, #tpu.memory_space<hbm>>
      tpu.wait_dma2 semaphore(%arg9 : memref<!tpu.dma_semaphore, #tpu.memory_space<semaphore_mem>>) src(%dma_wait3A_81 : memref<2x128xi32, #tpu.memory_space<hbm>>) dst(%dma_wait3A_77 : memref<2x128xi32, #tpu.memory_space<vmem>>)
      %dma_start3A_82 = arith.constant 0 : i32
      %dma_start3A_83 = arith.constant 0 : i32
      %dma_start3A_84 = arith.constant 0 : i32
      %dma_start3A_85 = arith.constant 0 : i32
      %dma_start3A_86 = tpu.memref_slice %arg7[%dma_start3A_83, %dma_start3A_84, %dma_start3A_85] : memref<2x128x128xf32, #tpu.memory_space<vmem>> -> memref<1x128x128xf32, #tpu.memory_space<vmem>>
      %dma_start3A_87 = tpu.memref_squeeze %dma_start3A_86 : memref<1x128x128xf32, #tpu.memory_space<vmem>> -> memref<128x128xf32, #tpu.memory_space<vmem>>
      %dma_start3A_88 = arith.constant 0 : i32
      %dma_start3A_89 = tpu.memref_slice %arg6[%dma_start3A_82, %dma_start3A_88] : memref<4x128xi32, #tpu.memory_space<vmem>> -> memref<1x128xi32, #tpu.memory_space<vmem>>
      %dma_start3A_90 = tpu.memref_squeeze %dma_start3A_89 : memref<1x128xi32, #tpu.memory_space<vmem>> -> memref<128xi32, #tpu.memory_space<vmem>>
      %dma_start3A_91 = arith.constant 0 : i32
      %dma_start3A_92 = arith.constant 0 : i32
      %dma_start3A_93 = tpu.memref_slice %arg2[%dma_start3A_91, %dma_start3A_92] : memref<10240x128xf32, #tpu.memory_space<hbm>> -> memref<10240x128xf32, #tpu.memory_space<hbm>>
      tpu.enqueue_indirect_dma source(%dma_start3A_93 : memref<10240x128xf32, #tpu.memory_space<hbm>>) target(%dma_start3A_87 : memref<128x128xf32, #tpu.memory_space<vmem>>) offsets(%dma_start3A_90 : memref<128xi32, #tpu.memory_space<vmem>>) semaphore(%arg10 : memref<!tpu.dma_semaphore, #tpu.memory_space<semaphore_mem>>)
      %dma_start3A_94 = arith.constant 2 : i32
      %dma_start3A_95 = arith.constant 1 : i32
      %dma_start3A_96 = arith.constant 0 : i32
      %dma_start3A_97 = arith.constant 0 : i32
      %dma_start3A_98 = tpu.memref_slice %arg7[%dma_start3A_95, %dma_start3A_96, %dma_start3A_97] : memref<2x128x128xf32, #tpu.memory_space<vmem>> -> memref<1x128x128xf32, #tpu.memory_space<vmem>>
      %dma_start3A_99 = tpu.memref_squeeze %dma_start3A_98 : memref<1x128x128xf32, #tpu.memory_space<vmem>> -> memref<128x128xf32, #tpu.memory_space<vmem>>
      %dma_start3A_100 = arith.constant 0 : i32
      %dma_start3A_101 = tpu.memref_slice %arg6[%dma_start3A_94, %dma_start3A_100] : memref<4x128xi32, #tpu.memory_space<vmem>> -> memref<1x128xi32, #tpu.memory_space<vmem>>
      %dma_start3A_102 = tpu.memref_squeeze %dma_start3A_101 : memref<1x128xi32, #tpu.memory_space<vmem>> -> memref<128xi32, #tpu.memory_space<vmem>>
      %dma_start3A_103 = arith.constant 0 : i32
      %dma_start3A_104 = arith.constant 0 : i32
      %dma_start3A_105 = tpu.memref_slice %arg2[%dma_start3A_103, %dma_start3A_104] : memref<10240x128xf32, #tpu.memory_space<hbm>> -> memref<10240x128xf32, #tpu.memory_space<hbm>>
      tpu.enqueue_indirect_dma source(%dma_start3A_105 : memref<10240x128xf32, #tpu.memory_space<hbm>>) target(%dma_start3A_99 : memref<128x128xf32, #tpu.memory_space<vmem>>) offsets(%dma_start3A_102 : memref<128xi32, #tpu.memory_space<vmem>>) semaphore(%arg11 : memref<!tpu.dma_semaphore, #tpu.memory_space<semaphore_mem>>)
      %dma_wait3A_106 = arith.constant 0 : i32
      %dma_wait3A_107 = arith.constant 0 : i32
      %dma_wait3A_108 = arith.constant 0 : i32
      %dma_wait3A_109 = arith.constant 0 : i32
      %dma_wait3A_110 = tpu.memref_slice %arg7[%dma_wait3A_107, %dma_wait3A_108, %dma_wait3A_109] : memref<2x128x128xf32, #tpu.memory_space<vmem>> -> memref<1x128x128xf32, #tpu.memory_space<vmem>>
      %dma_wait3A_111 = tpu.memref_squeeze %dma_wait3A_110 : memref<1x128x128xf32, #tpu.memory_space<vmem>> -> memref<128x128xf32, #tpu.memory_space<vmem>>
      %dma_wait3A_112 = arith.constant 0 : i32
      %dma_wait3A_113 = tpu.memref_slice %arg6[%dma_wait3A_106, %dma_wait3A_112] : memref<4x128xi32, #tpu.memory_space<vmem>> -> memref<1x128xi32, #tpu.memory_space<vmem>>
      %dma_wait3A_114 = tpu.memref_squeeze %dma_wait3A_113 : memref<1x128xi32, #tpu.memory_space<vmem>> -> memref<128xi32, #tpu.memory_space<vmem>>
      %dma_wait3A_115 = arith.constant 0 : i32
      %dma_wait3A_116 = arith.constant 0 : i32
      %dma_wait3A_117 = tpu.memref_slice %arg2[%dma_wait3A_115, %dma_wait3A_116] : memref<10240x128xf32, #tpu.memory_space<hbm>> -> memref<10240x128xf32, #tpu.memory_space<hbm>>
      tpu.wait_indirect_dma semaphore(%arg10 : memref<!tpu.dma_semaphore, #tpu.memory_space<semaphore_mem>>) src(%dma_wait3A_117 : memref<10240x128xf32, #tpu.memory_space<hbm>>) dst(%dma_wait3A_111 : memref<128x128xf32, #tpu.memory_space<vmem>>)
      %run_scoped3A = arith.constant 0 : i32
      %run_scoped3A_118 = arith.constant 1 : i32
      "tpu.region"() ({
        %run_scoped3A_133 = tpu.sem_alloc : memref<!tpu.dma_semaphore, #tpu.memory_space<semaphore_mem>>
        %dma_start3A_134 = arith.constant 0 : i32
        %dma_start3A_135 = arith.constant 0 : i32
        %dma_start3A_136 = tpu.memref_slice %arg7[%run_scoped3A, %dma_start3A_134, %dma_start3A_135] : memref<2x128x128xf32, #tpu.memory_space<vmem>> -> memref<1x128x128xf32, #tpu.memory_space<vmem>>
        %dma_start3A_137 = tpu.memref_squeeze %dma_start3A_136 : memref<1x128x128xf32, #tpu.memory_space<vmem>> -> memref<128x128xf32, #tpu.memory_space<vmem>>
        %dma_start3A_138 = arith.constant 0 : i32
        %dma_start3A_139 = tpu.memref_slice %arg6[%run_scoped3A_118, %dma_start3A_138] : memref<4x128xi32, #tpu.memory_space<vmem>> -> memref<1x128xi32, #tpu.memory_space<vmem>>
        %dma_start3A_140 = tpu.memref_squeeze %dma_start3A_139 : memref<1x128xi32, #tpu.memory_space<vmem>> -> memref<128xi32, #tpu.memory_space<vmem>>
        %dma_start3A_141 = arith.constant 0 : i32
        %dma_start3A_142 = arith.constant 0 : i32
        %dma_start3A_143 = tpu.memref_slice %arg8[%dma_start3A_141, %dma_start3A_142] : memref<10240x128xf32, #tpu.memory_space<vmem_shared>> -> memref<10240x128xf32, #tpu.memory_space<vmem_shared>>
        tpu.enqueue_indirect_dma source(%dma_start3A_137 : memref<128x128xf32, #tpu.memory_space<vmem>>) target(%dma_start3A_143 : memref<10240x128xf32, #tpu.memory_space<vmem_shared>>) offsets(%dma_start3A_140 : memref<128xi32, #tpu.memory_space<vmem>>) semaphore(%run_scoped3A_133 : memref<!tpu.dma_semaphore, #tpu.memory_space<semaphore_mem>>) {add = true}
        %dma_wait3A_144 = arith.constant 0 : i32
        %dma_wait3A_145 = arith.constant 0 : i32
        %dma_wait3A_146 = tpu.memref_slice %arg7[%run_scoped3A, %dma_wait3A_144, %dma_wait3A_145] : memref<2x128x128xf32, #tpu.memory_space<vmem>> -> memref<1x128x128xf32, #tpu.memory_space<vmem>>
        %dma_wait3A_147 = tpu.memref_squeeze %dma_wait3A_146 : memref<1x128x128xf32, #tpu.memory_space<vmem>> -> memref<128x128xf32, #tpu.memory_space<vmem>>
        %dma_wait3A_148 = arith.constant 0 : i32
        %dma_wait3A_149 = tpu.memref_slice %arg6[%run_scoped3A_118, %dma_wait3A_148] : memref<4x128xi32, #tpu.memory_space<vmem>> -> memref<1x128xi32, #tpu.memory_space<vmem>>
        %dma_wait3A_150 = tpu.memref_squeeze %dma_wait3A_149 : memref<1x128xi32, #tpu.memory_space<vmem>> -> memref<128xi32, #tpu.memory_space<vmem>>
        %dma_wait3A_151 = arith.constant 0 : i32
        %dma_wait3A_152 = arith.constant 0 : i32
        %dma_wait3A_153 = tpu.memref_slice %arg8[%dma_wait3A_151, %dma_wait3A_152] : memref<10240x128xf32, #tpu.memory_space<vmem_shared>> -> memref<10240x128xf32, #tpu.memory_space<vmem_shared>>
        tpu.wait_indirect_dma semaphore(%run_scoped3A_133 : memref<!tpu.dma_semaphore, #tpu.memory_space<semaphore_mem>>) src(%dma_wait3A_147 : memref<128x128xf32, #tpu.memory_space<vmem>>) dst(%dma_wait3A_153 : memref<10240x128xf32, #tpu.memory_space<vmem_shared>>)
        tpu.yield
      }) : () -> ()
      %dma_wait3A_119 = arith.constant 2 : i32
      %dma_wait3A_120 = arith.constant 1 : i32
      %dma_wait3A_121 = arith.constant 0 : i32
      %dma_wait3A_122 = arith.constant 0 : i32
      %dma_wait3A_123 = tpu.memref_slice %arg7[%dma_wait3A_120, %dma_wait3A_121, %dma_wait3A_122] : memref<2x128x128xf32, #tpu.memory_space<vmem>> -> memref<1x128x128xf32, #tpu.memory_space<vmem>>
      %dma_wait3A_124 = tpu.memref_squeeze %dma_wait3A_123 : memref<1x128x128xf32, #tpu.memory_space<vmem>> -> memref<128x128xf32, #tpu.memory_space<vmem>>
      %dma_wait3A_125 = arith.constant 0 : i32
      %dma_wait3A_126 = tpu.memref_slice %arg6[%dma_wait3A_119, %dma_wait3A_125] : memref<4x128xi32, #tpu.memory_space<vmem>> -> memref<1x128xi32, #tpu.memory_space<vmem>>
      %dma_wait3A_127 = tpu.memref_squeeze %dma_wait3A_126 : memref<1x128xi32, #tpu.memory_space<vmem>> -> memref<128xi32, #tpu.memory_space<vmem>>
      %dma_wait3A_128 = arith.constant 0 : i32
      %dma_wait3A_129 = arith.constant 0 : i32
      %dma_wait3A_130 = tpu.memref_slice %arg2[%dma_wait3A_128, %dma_wait3A_129] : memref<10240x128xf32, #tpu.memory_space<hbm>> -> memref<10240x128xf32, #tpu.memory_space<hbm>>
      tpu.wait_indirect_dma semaphore(%arg11 : memref<!tpu.dma_semaphore, #tpu.memory_space<semaphore_mem>>) src(%dma_wait3A_130 : memref<10240x128xf32, #tpu.memory_space<hbm>>) dst(%dma_wait3A_124 : memref<128x128xf32, #tpu.memory_space<vmem>>)
      %run_scoped3A_131 = arith.constant 1 : i32
      %run_scoped3A_132 = arith.constant 3 : i32
      "tpu.region"() ({
        %run_scoped3A_133 = tpu.sem_alloc : memref<!tpu.dma_semaphore, #tpu.memory_space<semaphore_mem>>
        %dma_start3A_134 = arith.constant 0 : i32
        %dma_start3A_135 = arith.constant 0 : i32
        %dma_start3A_136 = tpu.memref_slice %arg7[%run_scoped3A_131, %dma_start3A_134, %dma_start3A_135] : memref<2x128x128xf32, #tpu.memory_space<vmem>> -> memref<1x128x128xf32, #tpu.memory_space<vmem>>
        %dma_start3A_137 = tpu.memref_squeeze %dma_start3A_136 : memref<1x128x128xf32, #tpu.memory_space<vmem>> -> memref<128x128xf32, #tpu.memory_space<vmem>>
        %dma_start3A_138 = arith.constant 0 : i32
        %dma_start3A_139 = tpu.memref_slice %arg6[%run_scoped3A_132, %dma_start3A_138] : memref<4x128xi32, #tpu.memory_space<vmem>> -> memref<1x128xi32, #tpu.memory_space<vmem>>
        %dma_start3A_140 = tpu.memref_squeeze %dma_start3A_139 : memref<1x128xi32, #tpu.memory_space<vmem>> -> memref<128xi32, #tpu.memory_space<vmem>>
        %dma_start3A_141 = arith.constant 0 : i32
        %dma_start3A_142 = arith.constant 0 : i32
        %dma_start3A_143 = tpu.memref_slice %arg8[%dma_start3A_141, %dma_start3A_142] : memref<10240x128xf32, #tpu.memory_space<vmem_shared>> -> memref<10240x128xf32, #tpu.memory_space<vmem_shared>>
        tpu.enqueue_indirect_dma source(%dma_start3A_137 : memref<128x128xf32, #tpu.memory_space<vmem>>) target(%dma_start3A_143 : memref<10240x128xf32, #tpu.memory_space<vmem_shared>>) offsets(%dma_start3A_140 : memref<128xi32, #tpu.memory_space<vmem>>) semaphore(%run_scoped3A_133 : memref<!tpu.dma_semaphore, #tpu.memory_space<semaphore_mem>>) {add = true}
        %dma_wait3A_144 = arith.constant 0 : i32
        %dma_wait3A_145 = arith.constant 0 : i32
        %dma_wait3A_146 = tpu.memref_slice %arg7[%run_scoped3A_131, %dma_wait3A_144, %dma_wait3A_145] : memref<2x128x128xf32, #tpu.memory_space<vmem>> -> memref<1x128x128xf32, #tpu.memory_space<vmem>>
        %dma_wait3A_147 = tpu.memref_squeeze %dma_wait3A_146 : memref<1x128x128xf32, #tpu.memory_space<vmem>> -> memref<128x128xf32, #tpu.memory_space<vmem>>
        %dma_wait3A_148 = arith.constant 0 : i32
        %dma_wait3A_149 = tpu.memref_slice %arg6[%run_scoped3A_132, %dma_wait3A_148] : memref<4x128xi32, #tpu.memory_space<vmem>> -> memref<1x128xi32, #tpu.memory_space<vmem>>
        %dma_wait3A_150 = tpu.memref_squeeze %dma_wait3A_149 : memref<1x128xi32, #tpu.memory_space<vmem>> -> memref<128xi32, #tpu.memory_space<vmem>>
        %dma_wait3A_151 = arith.constant 0 : i32
        %dma_wait3A_152 = arith.constant 0 : i32
        %dma_wait3A_153 = tpu.memref_slice %arg8[%dma_wait3A_151, %dma_wait3A_152] : memref<10240x128xf32, #tpu.memory_space<vmem_shared>> -> memref<10240x128xf32, #tpu.memory_space<vmem_shared>>
        tpu.wait_indirect_dma semaphore(%run_scoped3A_133 : memref<!tpu.dma_semaphore, #tpu.memory_space<semaphore_mem>>) src(%dma_wait3A_147 : memref<128x128xf32, #tpu.memory_space<vmem>>) dst(%dma_wait3A_153 : memref<10240x128xf32, #tpu.memory_space<vmem_shared>>)
        tpu.yield
      }) : () -> ()
    }
    %scan3A_8 = arith.constant 40 : i32
    %barrier3A_9 = arith.constant 0 : index
    tpu.barrier barrier_id(%barrier3A_9)
    %mul3A_10 = arith.constant 640 : i32
    %mul3A_11 = arith.muli %arg1, %mul3A_10 : i32
    %mul3A_12 = arith.constant 640 : i32
    %mul3A_13 = arith.muli %arg1, %mul3A_12 : i32
    "tpu.region"() ({
      %run_scoped3A = tpu.sem_alloc : memref<!tpu.dma_semaphore, #tpu.memory_space<semaphore_mem>>
      %dma_start3A = arith.constant 0 : i32
      %dma_start3A_14 = arith.constant 0 : i32
      %dma_start3A_15 = tpu.memref_slice %arg5[%arg0, %dma_start3A, %dma_start3A_14] : memref<2x10240x128xf32, #tpu.memory_space<hbm>> -> memref<1x10240x128xf32, #tpu.memory_space<hbm>>
      %dma_start3A_16 = tpu.memref_squeeze %dma_start3A_15 : memref<1x10240x128xf32, #tpu.memory_space<hbm>> -> memref<10240x128xf32, #tpu.memory_space<hbm>>
      %dma_start3A_17 = arith.constant 0 : i32
      %dma_start3A_18 = tpu.memref_slice %dma_start3A_16[%mul3A_13, %dma_start3A_17] : memref<10240x128xf32, #tpu.memory_space<hbm>> -> memref<640x128xf32, #tpu.memory_space<hbm>>
      %dma_start3A_19 = arith.constant 0 : i32
      %dma_start3A_20 = tpu.memref_slice %arg8[%mul3A_11, %dma_start3A_19] : memref<10240x128xf32, #tpu.memory_space<vmem_shared>> -> memref<640x128xf32, #tpu.memory_space<vmem_shared>>
      tpu.enqueue_dma source(%dma_start3A_20 : memref<640x128xf32, #tpu.memory_space<vmem_shared>>) target(%dma_start3A_18 : memref<640x128xf32, #tpu.memory_space<hbm>>) target_semaphore(%run_scoped3A : memref<!tpu.dma_semaphore, #tpu.memory_space<semaphore_mem>>)
      %dma_wait3A = arith.constant 0 : i32
      %dma_wait3A_21 = arith.constant 0 : i32
      %dma_wait3A_22 = tpu.memref_slice %arg5[%arg0, %dma_wait3A, %dma_wait3A_21] : memref<2x10240x128xf32, #tpu.memory_space<hbm>> -> memref<1x10240x128xf32, #tpu.memory_space<hbm>>
      %dma_wait3A_23 = tpu.memref_squeeze %dma_wait3A_22 : memref<1x10240x128xf32, #tpu.memory_space<hbm>> -> memref<10240x128xf32, #tpu.memory_space<hbm>>
      %dma_wait3A_24 = arith.constant 0 : i32
      %dma_wait3A_25 = tpu.memref_slice %dma_wait3A_23[%mul3A_13, %dma_wait3A_24] : memref<10240x128xf32, #tpu.memory_space<hbm>> -> memref<640x128xf32, #tpu.memory_space<hbm>>
      %dma_wait3A_26 = arith.constant 0 : i32
      %dma_wait3A_27 = tpu.memref_slice %arg8[%mul3A_11, %dma_wait3A_26] : memref<10240x128xf32, #tpu.memory_space<vmem_shared>> -> memref<640x128xf32, #tpu.memory_space<vmem_shared>>
      tpu.wait_dma2 semaphore(%run_scoped3A : memref<!tpu.dma_semaphore, #tpu.memory_space<semaphore_mem>>) src(%dma_wait3A_27 : memref<640x128xf32, #tpu.memory_space<vmem_shared>>) dst(%dma_wait3A_25 : memref<640x128xf32, #tpu.memory_space<hbm>>)
      tpu.yield
    }) : () -> ()
    return
  }
}

module attributes {stable_mosaic.version = 14 : i64} {
  func.func @_pre_body(%arg0: i32, %arg1: memref<128x128xf32, #tpu.memory_space<vmem>>, %arg2: memref<32x128xf32, #tpu.memory_space<vmem>>, %arg3: memref<128x128xf32, #tpu.memory_space<vmem>>, %arg4: memref<128x128xf32, #tpu.memory_space<vmem>>) attributes {dimension_semantics = [#tpu.dimension_semantics<arbitrary>], iteration_bounds = array<i64: 80>, scalar_prefetch = 0 : i64, scratch_operands = 0 : i64, tpu.core_type = #tpu.core_type<tc>, window_params = [{transform_indices = @transform_0, window_bounds = array<i64: 128, 128>}, {transform_indices = @transform_1, window_bounds = array<i64: 32, 128>}, {pipeline_mode = #tpu.pipeline_mode<synchronous>, transform_indices = @transform_2, window_bounds = array<i64: 128, 128>}, {transform_indices = @transform_3, window_bounds = array<i64: 128, 128>}]} {
    %get3A = arith.constant 0 : index
    %get3A_0 = arith.constant 0 : index
    %get3A_1 = vector.load %arg2[%get3A, %get3A_0] : memref<32x128xf32, #tpu.memory_space<vmem>>, vector<32x128xf32>
    %reduce_sum3A = arith.constant dense<0.000000e+00> : vector<128xf32>
    %reduce_sum3A_2 = vector.multi_reduction <add>, %get3A_1, %reduce_sum3A [0] : vector<32x128xf32> to vector<128xf32>
    %reshape3A = vector.shape_cast %reduce_sum3A_2 : vector<128xf32> to vector<1x128xf32>
    %transpose3A = tpu.transpose %reshape3A, [1, 0] : vector<1x128xf32> -> vector<128x1xf32>
    %add3A = arith.constant 1.000000e+00 : f32
    %add3A_3 = vector.broadcast %add3A : f32 to vector<128x1xf32>
    %add3A_4 = arith.addf %add3A_3, %transpose3A : vector<128x1xf32>
    %rsqrt3A = math.rsqrt %add3A_4 : vector<128x1xf32>
    %get3A_5 = arith.constant 0 : index
    %get3A_6 = arith.constant 0 : index
    %get3A_7 = vector.load %arg1[%get3A_5, %get3A_6] : memref<128x128xf32, #tpu.memory_space<vmem>>, vector<128x128xf32>
    %get3A_8 = arith.constant 0 : index
    %get3A_9 = arith.constant 0 : index
    %get3A_10 = vector.load %arg3[%get3A_8, %get3A_9] : memref<128x128xf32, #tpu.memory_space<vmem>>, vector<128x128xf32>
    %dot_general3A = arith.constant dense<0.000000e+00> : vector<128x128xf32>
    %dot_general3A_11 = tpu.matmul %get3A_7, %get3A_10, %dot_general3A {dimension_numbers = #tpu.dot_dimension_numbers<[1], [0], [0], [1], [0, 0, 1, 1], [], []>, transpose_lhs_hint = false} : vector<128x128xf32>, vector<128x128xf32>, vector<128x128xf32> -> vector<128x128xf32>
    %mul3A = vector.broadcast %rsqrt3A : vector<128x1xf32> to vector<128x128xf32>
    %mul3A_12 = arith.mulf %dot_general3A_11, %mul3A : vector<128x128xf32>
    %swap3A = arith.constant 0 : index
    %swap3A_13 = arith.constant 0 : index
    %swap3A_14 = vector.load %arg4[%swap3A, %swap3A_13] : memref<128x128xf32, #tpu.memory_space<vmem>>, vector<128x128xf32>
    tpu.vector_store %arg4[%swap3A, %swap3A_13], %mul3A_12 {strides = array<i32>} : memref<128x128xf32, #tpu.memory_space<vmem>>, vector<128x128xf32>,
    return
  }
  func.func @transform_0(%arg0: i32) -> (i32, i32) {
    %c0_i32 = arith.constant 0 : i32
    %c0_i32_0 = arith.constant 0 : i32
    return %arg0, %c0_i32 : i32, i32
  }
  func.func @transform_1(%arg0: i32) -> (i32, i32) {
    %c0_i32 = arith.constant 0 : i32
    %c0_i32_0 = arith.constant 0 : i32
    return %c0_i32, %arg0 : i32, i32
  }
  func.func @transform_2(%arg0: i32) -> (i32, i32) {
    %c0_i32 = arith.constant 0 : i32
    %c0_i32_0 = arith.constant 0 : i32
    %c0_i32_1 = arith.constant 0 : i32
    return %c0_i32, %c0_i32_0 : i32, i32
  }
  func.func @transform_3(%arg0: i32) -> (i32, i32) {
    %c0_i32 = arith.constant 0 : i32
    %c0_i32_0 = arith.constant 0 : i32
    return %arg0, %c0_i32 : i32, i32
  }
}

module attributes {stable_mosaic.version = 14 : i64} {
  func.func @_mid_body(%arg0: i32, %arg1: memref<2x128x128xf32, #tpu.memory_space<vmem>>, %arg2: memref<128x128xf32, #tpu.memory_space<vmem>>, %arg3: memref<32x128xf32, #tpu.memory_space<vmem>>, %arg4: memref<128x128xf32, #tpu.memory_space<vmem>>, %arg5: memref<1x128xf32, #tpu.memory_space<vmem>>, %arg6: memref<128x128xf32, #tpu.memory_space<vmem>>) attributes {dimension_semantics = [#tpu.dimension_semantics<arbitrary>], iteration_bounds = array<i64: 80>, scalar_prefetch = 0 : i64, scratch_operands = 0 : i64, tpu.core_type = #tpu.core_type<tc>, window_params = [{transform_indices = @transform_0, window_bounds = array<i64: 2, 128, 128>}, {transform_indices = @transform_1, window_bounds = array<i64: 128, 128>}, {transform_indices = @transform_2, window_bounds = array<i64: 32, 128>}, {pipeline_mode = #tpu.pipeline_mode<synchronous>, transform_indices = @transform_3, window_bounds = array<i64: 128, 128>}, {pipeline_mode = #tpu.pipeline_mode<synchronous>, transform_indices = @transform_4, window_bounds = array<i64: 1, 128>}, {transform_indices = @transform_5, window_bounds = array<i64: 128, 128>}]} {
    %get3A = arith.constant 0 : index
    %get3A_0 = arith.constant 0 : index
    %get3A_1 = vector.load %arg3[%get3A, %get3A_0] : memref<32x128xf32, #tpu.memory_space<vmem>>, vector<32x128xf32>
    %reduce_sum3A = arith.constant dense<0.000000e+00> : vector<128xf32>
    %reduce_sum3A_2 = vector.multi_reduction <add>, %get3A_1, %reduce_sum3A [0] : vector<32x128xf32> to vector<128xf32>
    %reshape3A = vector.shape_cast %reduce_sum3A_2 : vector<128xf32> to vector<1x128xf32>
    %transpose3A = tpu.transpose %reshape3A, [1, 0] : vector<1x128xf32> -> vector<128x1xf32>
    %add3A = arith.constant 1.000000e+00 : f32
    %add3A_3 = vector.broadcast %add3A : f32 to vector<128x1xf32>
    %add3A_4 = arith.addf %add3A_3, %transpose3A : vector<128x1xf32>
    %rsqrt3A = math.rsqrt %add3A_4 : vector<128x1xf32>
    %get3A_5 = arith.constant 0 : index
    %get3A_6 = arith.constant 0 : index
    %get3A_7 = arith.constant 0 : index
    %get3A_8 = vector.load %arg1[%get3A_5, %get3A_6, %get3A_7] : memref<2x128x128xf32, #tpu.memory_space<vmem>>, vector<1x128x128xf32>
    %get3A_9 = vector.shape_cast %get3A_8 : vector<1x128x128xf32> to vector<128x128xf32>
    %get3A_10 = arith.constant 1 : index
    %get3A_11 = arith.constant 0 : index
    %get3A_12 = arith.constant 0 : index
    %get3A_13 = vector.load %arg1[%get3A_10, %get3A_11, %get3A_12] : memref<2x128x128xf32, #tpu.memory_space<vmem>>, vector<1x128x128xf32>
    %get3A_14 = vector.shape_cast %get3A_13 : vector<1x128x128xf32> to vector<128x128xf32>
    %add3A_15 = arith.addf %get3A_9, %get3A_14 : vector<128x128xf32>
    %get3A_16 = arith.constant 0 : index
    %get3A_17 = arith.constant 0 : index
    %get3A_18 = vector.load %arg2[%get3A_16, %get3A_17] : memref<128x128xf32, #tpu.memory_space<vmem>>, vector<128x128xf32>
    %add3A_19 = arith.addf %add3A_15, %get3A_18 : vector<128x128xf32>
    %mul3A = vector.broadcast %rsqrt3A : vector<128x1xf32> to vector<128x128xf32>
    %mul3A_20 = arith.mulf %mul3A, %add3A_19 : vector<128x128xf32>
    %get3A_21 = arith.constant 0 : index
    %get3A_22 = arith.constant 0 : index
    %get3A_23 = vector.load %arg5[%get3A_21, %get3A_22] : memref<1x128xf32, #tpu.memory_space<vmem>>, vector<1x128xf32>
    %add3A_24 = vector.broadcast %get3A_23 : vector<1x128xf32> to vector<128x128xf32>
    %add3A_25 = arith.addf %mul3A_20, %add3A_24 : vector<128x128xf32>
    %max3A = arith.constant 0.000000e+00 : f32
    %max3A_26 = vector.broadcast %max3A : f32 to vector<128x128xf32>
    %max3A_27 = arith.maximumf %add3A_25, %max3A_26 : vector<128x128xf32>
    %get3A_28 = arith.constant 0 : index
    %get3A_29 = arith.constant 0 : index
    %get3A_30 = vector.load %arg4[%get3A_28, %get3A_29] : memref<128x128xf32, #tpu.memory_space<vmem>>, vector<128x128xf32>
    %dot_general3A = arith.constant dense<0.000000e+00> : vector<128x128xf32>
    %dot_general3A_31 = tpu.matmul %max3A_27, %get3A_30, %dot_general3A {dimension_numbers = #tpu.dot_dimension_numbers<[1], [0], [0], [1], [0, 0, 1, 1], [], []>, transpose_lhs_hint = false} : vector<128x128xf32>, vector<128x128xf32>, vector<128x128xf32> -> vector<128x128xf32>
    %mul3A_32 = vector.broadcast %rsqrt3A : vector<128x1xf32> to vector<128x128xf32>
    %mul3A_33 = arith.mulf %dot_general3A_31, %mul3A_32 : vector<128x128xf32>
    %swap3A = arith.constant 0 : index
    %swap3A_34 = arith.constant 0 : index
    %swap3A_35 = vector.load %arg6[%swap3A, %swap3A_34] : memref<128x128xf32, #tpu.memory_space<vmem>>, vector<128x128xf32>
    tpu.vector_store %arg6[%swap3A, %swap3A_34], %mul3A_33 {strides = array<i32>} : memref<128x128xf32, #tpu.memory_space<vmem>>, vector<128x128xf32>,
    return
  }
  func.func @transform_0(%arg0: i32) -> (i32, i32, i32) {
    %c0_i32 = arith.constant 0 : i32
    %c0_i32_0 = arith.constant 0 : i32
    %c0_i32_1 = arith.constant 0 : i32
    return %c0_i32, %arg0, %c0_i32_0 : i32, i32, i32
  }
  func.func @transform_1(%arg0: i32) -> (i32, i32) {
    %c0_i32 = arith.constant 0 : i32
    %c0_i32_0 = arith.constant 0 : i32
    return %arg0, %c0_i32 : i32, i32
  }
  func.func @transform_2(%arg0: i32) -> (i32, i32) {
    %c0_i32 = arith.constant 0 : i32
    %c0_i32_0 = arith.constant 0 : i32
    return %c0_i32, %arg0 : i32, i32
  }
  func.func @transform_3(%arg0: i32) -> (i32, i32) {
    %c0_i32 = arith.constant 0 : i32
    %c0_i32_0 = arith.constant 0 : i32
    %c0_i32_1 = arith.constant 0 : i32
    return %c0_i32, %c0_i32_0 : i32, i32
  }
  func.func @transform_4(%arg0: i32) -> (i32, i32) {
    %c0_i32 = arith.constant 0 : i32
    %c0_i32_0 = arith.constant 0 : i32
    %c0_i32_1 = arith.constant 0 : i32
    return %c0_i32, %c0_i32_0 : i32, i32
  }
  func.func @transform_5(%arg0: i32) -> (i32, i32) {
    %c0_i32 = arith.constant 0 : i32
    %c0_i32_0 = arith.constant 0 : i32
    return %arg0, %c0_i32 : i32, i32
  }
}

module attributes {stable_mosaic.version = 14 : i64} {
  func.func @_out_body(%arg0: i32, %arg1: memref<2x128x128xf32, #tpu.memory_space<vmem>>, %arg2: memref<128x128xf32, #tpu.memory_space<vmem>>, %arg3: memref<32x128xf32, #tpu.memory_space<vmem>>, %arg4: memref<128x1xf32, #tpu.memory_space<vmem>>, %arg5: memref<1x128xf32, #tpu.memory_space<vmem>>, %arg6: memref<1x1xf32, #tpu.memory_space<vmem>>, %arg7: memref<128x1xf32, #tpu.memory_space<vmem>>) attributes {dimension_semantics = [#tpu.dimension_semantics<arbitrary>], iteration_bounds = array<i64: 80>, scalar_prefetch = 0 : i64, scratch_operands = 0 : i64, tpu.core_type = #tpu.core_type<tc>, window_params = [{transform_indices = @transform_0, window_bounds = array<i64: 2, 128, 128>}, {transform_indices = @transform_1, window_bounds = array<i64: 128, 128>}, {transform_indices = @transform_2, window_bounds = array<i64: 32, 128>}, {pipeline_mode = #tpu.pipeline_mode<synchronous>, transform_indices = @transform_3, window_bounds = array<i64: 128, 1>}, {pipeline_mode = #tpu.pipeline_mode<synchronous>, transform_indices = @transform_4, window_bounds = array<i64: 1, 128>}, {pipeline_mode = #tpu.pipeline_mode<synchronous>, transform_indices = @transform_5, window_bounds = array<i64: 1, 1>}, {transform_indices = @transform_6, window_bounds = array<i64: 128, 1>}]} {
    %get3A = arith.constant 0 : index
    %get3A_0 = arith.constant 0 : index
    %get3A_1 = vector.load %arg3[%get3A, %get3A_0] : memref<32x128xf32, #tpu.memory_space<vmem>>, vector<32x128xf32>
    %reduce_sum3A = arith.constant dense<0.000000e+00> : vector<128xf32>
    %reduce_sum3A_2 = vector.multi_reduction <add>, %get3A_1, %reduce_sum3A [0] : vector<32x128xf32> to vector<128xf32>
    %reshape3A = vector.shape_cast %reduce_sum3A_2 : vector<128xf32> to vector<1x128xf32>
    %transpose3A = tpu.transpose %reshape3A, [1, 0] : vector<1x128xf32> -> vector<128x1xf32>
    %add3A = arith.constant 1.000000e+00 : f32
    %add3A_3 = vector.broadcast %add3A : f32 to vector<128x1xf32>
    %add3A_4 = arith.addf %add3A_3, %transpose3A : vector<128x1xf32>
    %rsqrt3A = math.rsqrt %add3A_4 : vector<128x1xf32>
    %get3A_5 = arith.constant 0 : index
    %get3A_6 = arith.constant 0 : index
    %get3A_7 = arith.constant 0 : index
    %get3A_8 = vector.load %arg1[%get3A_5, %get3A_6, %get3A_7] : memref<2x128x128xf32, #tpu.memory_space<vmem>>, vector<1x128x128xf32>
    %get3A_9 = vector.shape_cast %get3A_8 : vector<1x128x128xf32> to vector<128x128xf32>
    %get3A_10 = arith.constant 1 : index
    %get3A_11 = arith.constant 0 : index
    %get3A_12 = arith.constant 0 : index
    %get3A_13 = vector.load %arg1[%get3A_10, %get3A_11, %get3A_12] : memref<2x128x128xf32, #tpu.memory_space<vmem>>, vector<1x128x128xf32>
    %get3A_14 = vector.shape_cast %get3A_13 : vector<1x128x128xf32> to vector<128x128xf32>
    %add3A_15 = arith.addf %get3A_9, %get3A_14 : vector<128x128xf32>
    %get3A_16 = arith.constant 0 : index
    %get3A_17 = arith.constant 0 : index
    %get3A_18 = vector.load %arg2[%get3A_16, %get3A_17] : memref<128x128xf32, #tpu.memory_space<vmem>>, vector<128x128xf32>
    %add3A_19 = arith.addf %add3A_15, %get3A_18 : vector<128x128xf32>
    %mul3A = vector.broadcast %rsqrt3A : vector<128x1xf32> to vector<128x128xf32>
    %mul3A_20 = arith.mulf %mul3A, %add3A_19 : vector<128x128xf32>
    %get3A_21 = arith.constant 0 : index
    %get3A_22 = arith.constant 0 : index
    %get3A_23 = vector.load %arg5[%get3A_21, %get3A_22] : memref<1x128xf32, #tpu.memory_space<vmem>>, vector<1x128xf32>
    %add3A_24 = vector.broadcast %get3A_23 : vector<1x128xf32> to vector<128x128xf32>
    %add3A_25 = arith.addf %mul3A_20, %add3A_24 : vector<128x128xf32>
    %max3A = arith.constant 0.000000e+00 : f32
    %max3A_26 = vector.broadcast %max3A : f32 to vector<128x128xf32>
    %max3A_27 = arith.maximumf %add3A_25, %max3A_26 : vector<128x128xf32>
    %get3A_28 = arith.constant 0 : index
    %get3A_29 = arith.constant 0 : index
    %get3A_30 = vector.load %arg4[%get3A_28, %get3A_29] : memref<128x1xf32, #tpu.memory_space<vmem>>, vector<128x1xf32>
    %dot_general3A = arith.constant dense<0.000000e+00> : vector<128x1xf32>
    %dot_general3A_31 = tpu.matmul %max3A_27, %get3A_30, %dot_general3A {dimension_numbers = #tpu.dot_dimension_numbers<[1], [0], [0], [1], [0, 0, 1, 1], [], []>, transpose_lhs_hint = false} : vector<128x128xf32>, vector<128x1xf32>, vector<128x1xf32> -> vector<128x1xf32>
    %get3A_32 = arith.constant 0 : index
    %get3A_33 = arith.constant 0 : index
    %get3A_34 = vector.load %arg6[%get3A_32, %get3A_33] : memref<1x1xf32, #tpu.memory_space<vmem>>, vector<1x1xf32>
    %add3A_35 = vector.broadcast %get3A_34 : vector<1x1xf32> to vector<128x1xf32>
    %add3A_36 = arith.addf %dot_general3A_31, %add3A_35 : vector<128x1xf32>
    %logistic3A = arith.negf %add3A_36 : vector<128x1xf32>
    %logistic3A_37 = math.exp %logistic3A : vector<128x1xf32>
    %logistic3A_38 = arith.constant 1.000000e+00 : f32
    %logistic3A_39 = vector.broadcast %logistic3A_38 : f32 to vector<128x1xf32>
    %logistic3A_40 = arith.addf %logistic3A_39, %logistic3A_37 : vector<128x1xf32>
    %logistic3A_41 = arith.divf %logistic3A_39, %logistic3A_40 : vector<128x1xf32>
    %swap3A = arith.constant 0 : index
    %swap3A_42 = arith.constant 0 : index
    %swap3A_43 = vector.load %arg7[%swap3A, %swap3A_42] : memref<128x1xf32, #tpu.memory_space<vmem>>, vector<128x1xf32>
    tpu.vector_store %arg7[%swap3A, %swap3A_42], %logistic3A_41 {strides = array<i32>} : memref<128x1xf32, #tpu.memory_space<vmem>>, vector<128x1xf32>,
    return
  }
  func.func @transform_0(%arg0: i32) -> (i32, i32, i32) {
    %c0_i32 = arith.constant 0 : i32
    %c0_i32_0 = arith.constant 0 : i32
    %c0_i32_1 = arith.constant 0 : i32
    return %c0_i32, %arg0, %c0_i32_0 : i32, i32, i32
  }
  func.func @transform_1(%arg0: i32) -> (i32, i32) {
    %c0_i32 = arith.constant 0 : i32
    %c0_i32_0 = arith.constant 0 : i32
    return %arg0, %c0_i32 : i32, i32
  }
  func.func @transform_2(%arg0: i32) -> (i32, i32) {
    %c0_i32 = arith.constant 0 : i32
    %c0_i32_0 = arith.constant 0 : i32
    return %c0_i32, %arg0 : i32, i32
  }
  func.func @transform_3(%arg0: i32) -> (i32, i32) {
    %c0_i32 = arith.constant 0 : i32
    %c0_i32_0 = arith.constant 0 : i32
    %c0_i32_1 = arith.constant 0 : i32
    return %c0_i32, %c0_i32_0 : i32, i32
  }
  func.func @transform_4(%arg0: i32) -> (i32, i32) {
    %c0_i32 = arith.constant 0 : i32
    %c0_i32_0 = arith.constant 0 : i32
    %c0_i32_1 = arith.constant 0 : i32
    return %c0_i32, %c0_i32_0 : i32, i32
  }
  func.func @transform_5(%arg0: i32) -> (i32, i32) {
    %c0_i32 = arith.constant 0 : i32
    %c0_i32_0 = arith.constant 0 : i32
    %c0_i32_1 = arith.constant 0 : i32
    return %c0_i32, %c0_i32_0 : i32, i32
  }
  func.func @transform_6(%arg0: i32) -> (i32, i32) {
    %c0_i32 = arith.constant 0 : i32
    %c0_i32_0 = arith.constant 0 : i32
    return %arg0, %c0_i32 : i32, i32
  }
}

</mosaic_0001>

<sc_bundles>
// kernel: kernel.10.cloned.1.call-start
scs
__scs_entry_jumppad:
0x0: {  	(pc) =	sbr.rel $0x88, $3  }
0x1: {  	(tag) =	ssettag $0x0;
	lr =	simm.s32 $0x1  }
0x2: {  	[smem:$0x3F97] =	sst lr;
	_ =	strace $0xD0000000  }
0x3: {  	_ = 	snop  }
0x4: {  	_ = 	snop  }
0x5: {  	_ = 	snop  }
0x6: {  	_ = 	snop  }
0x7: {  	_ = 	snop  }
__scs_overlays_trampoline_lowered:
0x8: {  	[smem:$0x3FA6] =	sst s0  }
0x9: {  	[smem:$0x3FA7] =	sst s1  }
0xa: {  	[smem:$0x3FA8] =	sst s2  }
0xb: {  	[smem:$0x3FA9] =	sst s3  }
0xc: {  	[smem:$0x3FAA] =	sst s4  }
0xd: {  	[smem:$0x3FAB] =	sst s5  }
0xe: {  	[smem:$0x3FAC] =	sst s6  }
0xf: {  	[smem:$0x3FAD] =	sst s7  }
0x10: {  	[smem:$0x3FAE] =	sst s8  }
0x11: {  	[smem:$0x3FAF] =	sst s9;
	s0 =	simm.s32 @!p0 $0x0  }
0x12: {  	s1 =	sld [smem:$0x3F95];
	s0 =	simm.s32 @p0 $0x1  }
0x13: {  	[smem:$0x3FB0] =	sst s0;
	s0 =	simm.s32 @!p1 $0x0  }
0x14: {  	s2 =	sld [smem:$0x3F94];
	s0 =	simm.s32 @p1 $0x1  }
0x15: {  	[smem:$0x3FB1] =	sst s0;
	s0 =	simm.s32 @!p2 $0x0  }
0x16: {  	s3 =	sld [smem:$0x3FDB];
	s0 =	simm.s32 @p2 $0x1  }
0x17: {  	s4 =	simm.s32 $0x1BF5;
	[smem:$0x3FB3] =	sst s0  }
0x18: {  	s0 =	sld [smem:$0x3F96];
	_ =	swait.ge [sflag:s4], $0x0  }
0x19: {  	s7 =	sld [smem:$0x3F97]  }
0x1a: {  	s8 =	sadd.s32 $0xFFFFE003, lr  }
0x1b: {  	s9 =	sadd.s32 $0xFFFFFEF7, lr;
	s5 =	simm.s32 $0xFFFFFFFF;
	p2 =	slt.u32 s8, $0xFFFFF086  }
0x1c: {  	p1 =	slt.u32 s9, $0xF7A;
	s5 =	simm.s32 @!p2 $0x0  }
0x1d: {  	s5 =	simm.s32 @p1 $0x1;
	p0 =	seq.s32 s7, s2  }
0x1e: {  	s7 =	smul.u32 @!p0 $0xF7A, s2;
	p2 =	seq.s32 @!p0 s5, $0x0  }
0x1f: {  	s9 =	smul.u32 $0xF7A, s1;
	s8 =	simm.s32 @!p0 $0x1BF5;
	p2 =	por !p2, p0  }
0x20: {  	[sflag:s8] =	ssyncset.s32 @!p0 $0xFFFFF086;
	s6 =	sadd.s32 @!p0 s3, s7;
	s7 =	simm.s32 @!p0 $0x108  }
0x21: {  	s3 =	sadd.s32 s3, s9;
	s6 =	sadd.s32 @!p0 $0x88, s6;
	s7 =	simm.s32 @p2 $0x1082  }
0x22: {  	[simem:s7], [sflag:s8] =	dma.local @!p0 [hbm:s6], $0xF7A  }
0x23: {  	s9 =	sor.u32 $0xD0000000, s2;
	s6 =	simm.s32 $0x108;
	_ =	swait.ge @!p0 [sflag:s8], $0x0  }
0x24: {  	s3 =	sadd.s32 $0x88, s3;
	s6 =	simm.s32 @!p1 $0x1082;
	[sflag:s4] =	ssyncset.s32 $0xFFFFF086  }
0x25: {  	[simem:s6], [sflag:s4] =	dma.local [hbm:s3], $0xF7A  }
0x26: {  	[smem:$0x3F97] =	sst s1;
	(tag) =	ssettag s2;
	_ =	strace s9  }
0x27: {  	s1 =	sld [smem:$0x3FA7]  }
0x28: {  	s2 =	sld [smem:$0x3FA8]  }
0x29: {  	s4 =	sld [smem:$0x3FAA]  }
0x2a: {  	p0 =	seq.s32 s5, $0x0;
	s5 =	sld [smem:$0x3FAB]  }
0x2b: {  	s6 =	sld [smem:$0x3FAC]  }
0x2c: {  	s7 =	sld [smem:$0x3FAD]  }
0x2d: {  	s3 =	simm.s32 $0x108;
	s8 =	sld [smem:$0x3FAE]  }
0x2e: {  	s3 =	simm.s32 @!p0 $0x1082;
	s9 =	sld [smem:$0x3FAF]  }
0x2f: {  	lr =	sadd.s32 s0, s3;
	s0 =	sld [smem:$0x3FA6]  }
0x30: {  	s3 =	sld [smem:$0x3FA9]  }
0x31: {  	[smem:$0x3FB2] =	sst s10  }
0x32: {  	s10 =	sld [smem:$0x3FB0];
	_ =	sdelay $0x3  }
0x33: {  	p0 =	seq.s32 s10, $0x1;
	s10 =	sld [smem:$0x3FB2];
	_ =	sdelay $0x3  }
0x34: {  	[smem:$0x3FB2] =	sst s10  }
0x35: {  	s10 =	sld [smem:$0x3FB1];
	_ =	sdelay $0x3  }
0x36: {  	p1 =	seq.s32 s10, $0x1;
	s10 =	sld [smem:$0x3FB2];
	_ =	sdelay $0x3  }
0x37: {  	[smem:$0x3FB2] =	sst s10  }
0x38: {  	s10 =	sld [smem:$0x3FB3]  }
0x39: {  	_ = 	snop;
	(pc) =	sbr.ind lr, $3  }
0x3a: {  	_ = 	snop  }
0x3b: {  	_ = 	snop  }
0x3c: {  	p2 =	seq.s32 s10, $0x1;
	s10 =	sld [smem:$0x3FB2]  }
0x3d: {  	_ =	shalt  }
0x3e: {  	_ =	shalt  }
0x3f: {  	_ =	shalt  }
0x40: {  	_ =	shalt  }
0x41: {  	_ =	shalt  }
0x42: {  	_ =	shalt  }
0x43: {  	_ =	shalt  }
0x44: {  	_ =	shalt  }
0x45: {  	_ =	shalt  }
0x46: {  	_ =	shalt  }
0x47: {  	_ =	shalt  }
0x48: {  	_ =	shalt  }
0x49: {  	_ =	shalt  }
0x4a: {  	_ =	shalt  }
0x4b: {  	_ =	shalt  }
0x4c: {  	_ =	shalt  }
0x4d: {  	_ =	shalt  }
0x4e: {  	_ =	shalt  }
0x4f: {  	_ =	shalt  }
0x50: {  	_ =	shalt  }
0x51: {  	_ =	shalt  }
0x52: {  	_ =	shalt  }
0x53: {  	_ =	shalt  }
0x54: {  	_ =	shalt  }
0x55: {  	_ =	shalt  }
0x56: {  	_ =	shalt  }
0x57: {  	_ =	shalt  }
0x58: {  	_ =	shalt  }
0x59: {  	_ =	shalt  }
0x5a: {  	_ =	shalt  }
0x5b: {  	_ =	shalt  }
0x5c: {  	_ =	shalt  }
0x5d: {  	_ =	shalt  }
0x5e: {  	_ =	shalt  }
0x5f: {  	_ =	shalt  }
0x60: {  	_ =	shalt  }
0x61: {  	_ =	shalt  }
0x62: {  	_ =	shalt  }
0x63: {  	_ =	shalt  }
0x64: {  	_ =	shalt  }
0x65: {  	_ =	shalt  }
0x66: {  	_ =	shalt  }
0x67: {  	_ =	shalt  }
0x68: {  	_ =	shalt  }
0x69: {  	_ =	shalt  }
0x6a: {  	_ =	shalt  }
0x6b: {  	_ =	shalt  }
0x6c: {  	_ =	shalt  }
0x6d: {  	_ =	shalt  }
0x6e: {  	_ =	shalt  }
0x6f: {  	_ =	shalt  }
0x70: {  	_ =	shalt  }
0x71: {  	_ =	shalt  }
0x72: {  	_ =	shalt  }
0x73: {  	_ =	shalt  }
0x74: {  	_ =	shalt  }
0x75: {  	_ =	shalt  }
0x76: {  	_ =	shalt  }
0x77: {  	_ =	shalt  }
0x78: {  	_ =	shalt  }
0x79: {  	_ =	shalt  }
0x7a: {  	_ =	shalt  }
0x7b: {  	_ =	shalt  }
0x7c: {  	_ =	shalt  }
0x7d: {  	_ =	shalt  }
0x7e: {  	_ =	shalt  }
0x7f: {  	_ =	shalt  }
0x80: {  	_ =	shalt  }
0x81: {  	_ =	shalt  }
0x82: {  	_ =	shalt  }
0x83: {  	_ =	shalt  }
0x84: {  	_ =	shalt  }
0x85: {  	_ =	shalt  }
0x86: {  	_ =	shalt  }
0x87: {  	_ =	shalt  }
.Lfunc_end0:
.L_simem_size_0:
called_computation_lowered:
.L_overlay_start_0:
0x88: {  	s2 =	sld [smem:$0x3FD9]  }
0x89: {  	s3 =	sld [smem:$0x3FFE];
	_ =	sdelay $0x1  }
0x8a: {  	s1 =	srdreg.scid  }
0x8b: {  	s0 =	sand.u32 $0x1, s1  }
0x8c: {  	s16 =	sshll.u32 s0, $0xA;
	s2 =	sadd.s32 s3, s2  }
0x8d: {  	s2 =	sadd.s32 s2, s16  }
0x8e: {  	[smem:$0x3FBE] =	sst s2  }
0x8f: {  	_ = 	snop  }
0x90: {  	(tm) =	ssettm $0x1  }
0x91: {  	s17 =	sld [smem:$0x3FFB];
	_ =	sdelay $0x3  }
0x92: {  	_ =	strace s17  }
0x93: {  	s2 =	sld [smem:$0x3FFC];
	_ =	sdelay $0x3  }
0x94: {  	_ =	strace s2  }
0x95: {  	s2 =	sld [smem:$0x3FFD];
	_ =	sdelay $0x3  }
0x96: {  	_ =	strace s2  }
0x97: {  	_ =	strace $0x8FFFFFFF  }
0x98: {  	s18 =	sld [smem:$0x3FDB];
	_ =	sdelay $0x1  }
0x99: {  	s19 =	simm.s32 $_scs_section_size  }
0x9a: {  	s4 =	simm.s32 $_size__tile_overlayer_lowered;
	s5 =	simm.s32 $_tile_overlayer_lowered  }
0x9b: {  	s22 =	simm.s32 $0x1BFF;
	s21 =	sshll.u32 s5, $0x1;
	s2 =	sadd.s32 s19, s18  }
0x9c: {  	s6 =	simm.s32 $0x0;
	s20 =	sshll.u32 s4, $0x1;
	s4 =	sadd.s32 s21, s2  }
0x9d: {  	[timem:s6], [sflag:s22] =	dma.local [hbm:s4], s20  }
0x9e: {  	_ =	swait.ge [sflag:s22], s20  }
0x9f: {  	s3 =	ssub.s32 $0x0, s20;
	[sflag:s22] =	ssyncset.done $0x0  }
0xa0: {  	[sflag:s22] =	ssyncadd.s32 s3;
	_ =	sdelay $0x1  }
0xa1: {  	s23 =	simm.s32 $0x1B8B  }
0xa2: {  	_ =	swait.ge [sflag:s23], $0x1  }
0xa3: {  	[sflag:s23] =	ssyncset.done $0x0  }
0xa4: {  	s25 =	simm.s32 $0x1B8E;
	s24 =	sld [smem:$0x3FFE];
	[sflag:s23] =	ssyncadd.s32 $0xFFFFFFFF  }
0xa5: {  	s26 =	simm.s32 $execute0_lowered;
	[smem:$0x3FD2] =	sst s25  }
0xa6: {  	s4 =	sshll.u32 s26, $0x1;
	_ =	strace $0x80000046;
	[dreg:$0x1] =	wrdreg $0xFFFFFFFF  }
0xa7: {  	s28 =	simm.s32 $_size_execute0_lowered;
	s2 =	sadd.s32 s2, s4;
	[dreg:$0x0] =	wrdreg $0x0  }
0xa8: {  	s4 =	sshll.u32 s28, $0x1;
	[dreg:$0x2] =	wrdreg s2  }
0xa9: {  	[dreg:$0x3] =	wrdreg s4  }
0xaa: {  	[dreg:$0x4] =	wrdreg $0xC0  }
0xab: {  	_ =	task [dreg:s6], $0x5FFFF  }
0xac: {  	[dreg:$0x1] =	wrdreg $0xFFFFFFFF  }
0xad: {  	[dreg:$0x0] =	wrdreg $0x60  }
0xae: {  	[dreg:$0x2] =	wrdreg s24  }
0xaf: {  	[dreg:$0x3] =	wrdreg $0x9  }
0xb0: {  	_ =	task.clear_ibuf [dreg:s6], $0x4FFFF;
	_ =	strace $0x90000046  }
0xb1: {  	s29 =	simm.s32 $0x9;
	_ =	strace $0x80000048  }
0xb2: {  	_ =	swait.ge [sflag:s29], $0x1  }
0xb3: {  	[sflag:s29] =	ssyncadd.s32 $0xFFFFFFFF  }
0xb4: {  	_ =	strace $0x90000048  }
0xb5: {  	_ =	sfence  }
0xb6: {  	s30 =	sld [smem:$0x0];
	_ =	sdelay $0x2  }
0xb7: {  	s31 =	sshll.u32 s1, $0xD;
	s1 =	sshrl.u32 s1, $0x2  }
0xb8: {  	s3 =	sand.u32 $0x4000, s31;
	s1 =	sadd.s32 s1, s30  }
0xb9: {  	s0 =	sor.u32 s3, s0;
	s1 =	sshll.u32 s1, $0x11  }
0xba: {  	s0 =	sor.u32 s1, s0  }
0xbb: {  	s0 =	sadd.s32 $0x8F2B, s0  }
0xbc: {  	[sflag:s0] =	ssyncadd.remote.s32 $0x1  }
0xbd: {  	_ =	sfence.sel $0xFFFF  }
0xbe: {  	[dreg:$0x0] =	wrdreg $0xFFFFFFFF;
	(pc) =	sbr.abs _section_cstart, $3  }
0xbf: {  	[dreg:$0x1] =	wrdreg $0xFFFFFFFF  }
0xc0: {  	_ =	task.clear_ibuf [dreg:s6], $0x2FFFF;
	_ =	strace $0x9FFFFFFF  }
0xc1: {  	(tm) =	ssettm $0x7FFFFFFF  }
tec
execute0_lowered:
.L_overlay_start_1:
0x0: {  	(tag) =	ssettag $0x1  }
0x1: {  	s0 =	srdreg.scid  }
0x2: {  	s5 =	rddreg [dreg:$0x0];
	s3 =	sand.u32 $0x1, s0  }
0x3: {  	s2 =	simm.s32 $0x0;
	s0 =	stileid.u32;
	s1 =	sshll.u32 s3, $0x4  }
0x4: {  	s8 =	simm.s32 $0x80;
	s9 =	simm.s32 $0x400;
	s4 =	sor.u32 s0, s1  }
0x5: {  	s10 =	simm.s32 $0x0;
	[smem:$0x7FF] =	sst s2;
	s1 =	sshrl.u32 s4, $0x3  }
0x6: {  	s7 =	sshll.u32 s0, $0x7;
	s3 =	ssub.s32 $0x2, s3;
	s6 =	smul.u32 $0x14000, s1  }
0x7: {  	s7 =	sand.u32 $0x380, s7;
	s31 =	sshrl.u32 s3, $0x1;
	s4 =	smul.u32 $0xA00, s4  }
0x8: {  	s1 =	rddreg [dreg:$0x1];
	_ =	strace $0x80000047;
	s6 =	sor.u32 s7, s6  }
0x9: {  	s4 =	sadd.s32 s4, s5;
	s7 =	simm.s32 $0x5000;
	s6 =	sshrl.u32 s6, $0x3  }
0xa: {  	s5 =	sadd.s32 s6, s5;
	s6 =	ssub.s32 s3, s31;
	s3 =	sadd.s32 $0x3A00, s4  }
0xb: {  	v0 =	vimm.f32 $0.0e+00;
	v1 =	vimm.f32 $1.000000000e+00;
	s4 =	sadd.s32 $0x17A00, s5;
	s5 =	smax.u32 s6, $0x1;
	s6 =	simm.s32 $0x1  }
.LBB2_1:
0xc: {  	[tilespmem:s2], [sflag:$0x1] =	stream.linear.gather [hbm4b:s3+s2], $0x5000, $0x38;
	[tilespmem:$0x7800] =	vst v63  }
0xd: {  	_ =	swait.ge [sflag:s6], $0x5000  }
0xe: {  	[sflag:s6] =	ssyncset.done $0x0  }
0xf: {  	s11 =	simm.s32 $0x0;
	[sflag:s6] =	ssyncadd.s32 $0xFFFFB000  }
.LBB2_2:
0x10: {  	p0 =	sne.s32 s11, $0x9FC0  }
.Ltmp0:
0x11: {  	_ = 	snop;
	(pc) =	sbr.rel @p0 .LBB2_2-.Ltmp0, $3  }
0x12: {  	_ =	sdelay $0x1  }
0x13: {  	s12 =	sshra.s32 s11, $0x2  }
0x14: {  	s11 =	sadd.s32 $0x40, s11;
	[tilespmem:s12+$0x5000] =	vst v0  }
0x15: {  	s11 =	simm.s32 $0x0  }
.LBB2_4:
0x16: {  	s12 =	sshra.s32 s11, $0x2  }
0x17: {  	v2 =	vld [tilespmem:s12+$0x80];
	_ =	sdelay $0x7  }
0x18: {  	[tilespmem:v2+s7+$0x0] =	vst.idx.add.f32.msk $0xffff, v1  }
0x19: {  	v2 =	vld [tilespmem:s12+$0x90];
	_ =	sdelay $0x7  }
0x1a: {  	[tilespmem:v2+s7+$0x0] =	vst.idx.add.f32.msk $0xffff, v1  }
0x1b: {  	v2 =	vld [tilespmem:s12+$0xA0];
	_ =	sdelay $0x7  }
0x1c: {  	[tilespmem:v2+s7+$0x0] =	vst.idx.add.f32.msk $0xffff, v1  }
0x1d: {  	v2 =	vld [tilespmem:s12+$0xB0];
	_ =	sdelay $0x7  }
0x1e: {  	[tilespmem:v2+s7+$0x0] =	vst.idx.add.f32.msk $0xffff, v1  }
0x1f: {  	v2 =	vld [tilespmem:s12+$0xC0];
	_ =	sdelay $0x7  }
0x20: {  	[tilespmem:v2+s7+$0x0] =	vst.idx.add.f32.msk $0xffff, v1  }
0x21: {  	v2 =	vld [tilespmem:s12+$0xD0];
	_ =	sdelay $0x7  }
0x22: {  	[tilespmem:v2+s7+$0x0] =	vst.idx.add.f32.msk $0xffff, v1  }
0x23: {  	v2 =	vld [tilespmem:s12+$0xE0];
	_ =	sdelay $0x7  }
0x24: {  	[tilespmem:v2+s7+$0x0] =	vst.idx.add.f32.msk $0xffff, v1  }
0x25: {  	v2 =	vld [tilespmem:s12+$0xF0];
	_ =	sdelay $0x2  }
0x26: {  	p0 =	sne.s32 s11, $0x13C00  }
.Ltmp1:
0x27: {  	_ = 	snop;
	(pc) =	sbr.rel @p0 .LBB2_4-.Ltmp1, $2  }
0x28: {  	_ =	sdelay $0x2  }
0x29: {  	s11 =	sadd.s32 $0x400, s11;
	[tilespmem:v2+s7+$0x0] =	vst.idx.add.f32.msk $0xffff, v1  }
0x2a: {  	s10 =	sadd.s32 $0x1, s10  }
0x2b: {  	p0 =	sne.s32 s10, s5  }
.Ltmp2:
0x2c: {  	_ = 	snop;
	(pc) =	sbr.rel @p0 .LBB2_1-.Ltmp2, $4  }
0x2d: {  	[hbm4b:s4+s8] =	stream.strided.scatter [tilespmem:s7], [sflag:$0x1], $0x2800, s9, s8, $0x38;
	[tilespmem:$0x7800] =	vst v63  }
0x2e: {  	_ =	swait.ge [sflag:s6], $0x2800  }
0x2f: {  	[sflag:s6] =	ssyncset.done $0x0  }
0x30: {  	[sflag:s6] =	ssyncadd.s32 $0xFFFFD800  }
0x31: {  	_ =	sfence.sel $0x180000  }
0x32: {  	[bflag:$0x0] =	sbarrier.arrive $0xFFFF  }
0x33: {  	p0 =	sne.s32 s0, $0x0;
	_ =	strace $0x90000047  }
0x34: {  	s0 =	sadd.s32 @!p0 $0x100000, s1;
	[bflag:$0x2] =	sbarrier.arrive $0xFFFF  }
0x35: {  	[sflag:s0] =	ssyncadd.tile.s32 @!p0 $0x1;
	_ =	shalt  }
.Lfunc_end2:
_tile_overlayer_lowered:
.L_overlay_start_2:
0x36: {  	(tag) =	ssettag $0x2  }
0x37: {  	s0 =	rddreg [dreg:$0x0];
	s2 =	stileid.u32  }
0x38: {  	s1 =	rddreg [dreg:$0x1];
	p0 =	sne.s32 s2, $0x0  }
0x39: {  	s3 =	rddreg [dreg:$0x2];
	[bflag:$0x3] =	sbarrier.arrive $0xFFFF;
	s2 =	simm.s32 @!p0 $0x1C01  }
0x3a: {  	[timem:s3], [sflag:s2] =	dma.local @!p0 [hbm:s0], s1  }
0x3b: {  	s0 =	simm.s32 @!p0 $0x1  }
0x3c: {  	_ =	swait.ge @!p0 [sflag:s0], s1  }
0x3d: {  	s1 =	ssub.s32 @!p0 $0x0, s1;
	[sflag:s0] =	ssyncset.done @!p0 $0x0  }
0x3e: {  	[sflag:s0] =	ssyncadd.s32 @!p0 s1  }
0x3f: {  	[bflag:$0x3] =	sbarrier.arrive $0xFFFF  }
0x40: {  	_ =	shalt  }

// kernel: kernel.13.cloned.1.call-start
scs
__scs_entry_jumppad:
0x0: {  	(pc) =	sbr.rel $0x88, $3  }
0x1: {  	(tag) =	ssettag $0x0;
	lr =	simm.s32 $0x1  }
0x2: {  	[smem:$0x3F97] =	sst lr;
	_ =	strace $0xD0000000  }
0x3: {  	_ = 	snop  }
0x4: {  	_ = 	snop  }
0x5: {  	_ = 	snop  }
0x6: {  	_ = 	snop  }
0x7: {  	_ = 	snop  }
__scs_overlays_trampoline_lowered:
0x8: {  	[smem:$0x3FA6] =	sst s0  }
0x9: {  	[smem:$0x3FA7] =	sst s1  }
0xa: {  	[smem:$0x3FA8] =	sst s2  }
0xb: {  	[smem:$0x3FA9] =	sst s3  }
0xc: {  	[smem:$0x3FAA] =	sst s4  }
0xd: {  	[smem:$0x3FAB] =	sst s5  }
0xe: {  	[smem:$0x3FAC] =	sst s6  }
0xf: {  	[smem:$0x3FAD] =	sst s7  }
0x10: {  	[smem:$0x3FAE] =	sst s8  }
0x11: {  	[smem:$0x3FAF] =	sst s9;
	s0 =	simm.s32 @!p0 $0x0  }
0x12: {  	s1 =	sld [smem:$0x3F95];
	s0 =	simm.s32 @p0 $0x1  }
0x13: {  	[smem:$0x3FB0] =	sst s0;
	s0 =	simm.s32 @!p1 $0x0  }
0x14: {  	s2 =	sld [smem:$0x3F94];
	s0 =	simm.s32 @p1 $0x1  }
0x15: {  	[smem:$0x3FB1] =	sst s0;
	s0 =	simm.s32 @!p2 $0x0  }
0x16: {  	s3 =	sld [smem:$0x3FDB];
	s0 =	simm.s32 @p2 $0x1  }
0x17: {  	s4 =	simm.s32 $0x1BF5;
	[smem:$0x3FB3] =	sst s0  }
0x18: {  	s0 =	sld [smem:$0x3F96];
	_ =	swait.ge [sflag:s4], $0x0  }
0x19: {  	s7 =	sld [smem:$0x3F97]  }
0x1a: {  	s8 =	sadd.s32 $0xFFFFE003, lr  }
0x1b: {  	s9 =	sadd.s32 $0xFFFFFEF7, lr;
	s5 =	simm.s32 $0xFFFFFFFF;
	p2 =	slt.u32 s8, $0xFFFFF086  }
0x1c: {  	p1 =	slt.u32 s9, $0xF7A;
	s5 =	simm.s32 @!p2 $0x0  }
0x1d: {  	s5 =	simm.s32 @p1 $0x1;
	p0 =	seq.s32 s7, s2  }
0x1e: {  	s7 =	smul.u32 @!p0 $0xF7A, s2;
	p2 =	seq.s32 @!p0 s5, $0x0  }
0x1f: {  	s9 =	smul.u32 $0xF7A, s1;
	s8 =	simm.s32 @!p0 $0x1BF5;
	p2 =	por !p2, p0  }
0x20: {  	[sflag:s8] =	ssyncset.s32 @!p0 $0xFFFFF086;
	s6 =	sadd.s32 @!p0 s3, s7;
	s7 =	simm.s32 @!p0 $0x108  }
0x21: {  	s3 =	sadd.s32 s3, s9;
	s6 =	sadd.s32 @!p0 $0x88, s6;
	s7 =	simm.s32 @p2 $0x1082  }
0x22: {  	[simem:s7], [sflag:s8] =	dma.local @!p0 [hbm:s6], $0xF7A  }
0x23: {  	s9 =	sor.u32 $0xD0000000, s2;
	s6 =	simm.s32 $0x108;
	_ =	swait.ge @!p0 [sflag:s8], $0x0  }
0x24: {  	s3 =	sadd.s32 $0x88, s3;
	s6 =	simm.s32 @!p1 $0x1082;
	[sflag:s4] =	ssyncset.s32 $0xFFFFF086  }
0x25: {  	[simem:s6], [sflag:s4] =	dma.local [hbm:s3], $0xF7A  }
0x26: {  	[smem:$0x3F97] =	sst s1;
	(tag) =	ssettag s2;
	_ =	strace s9  }
0x27: {  	s1 =	sld [smem:$0x3FA7]  }
0x28: {  	s2 =	sld [smem:$0x3FA8]  }
0x29: {  	s4 =	sld [smem:$0x3FAA]  }
0x2a: {  	p0 =	seq.s32 s5, $0x0;
	s5 =	sld [smem:$0x3FAB]  }
0x2b: {  	s6 =	sld [smem:$0x3FAC]  }
0x2c: {  	s7 =	sld [smem:$0x3FAD]  }
0x2d: {  	s3 =	simm.s32 $0x108;
	s8 =	sld [smem:$0x3FAE]  }
0x2e: {  	s3 =	simm.s32 @!p0 $0x1082;
	s9 =	sld [smem:$0x3FAF]  }
0x2f: {  	lr =	sadd.s32 s0, s3;
	s0 =	sld [smem:$0x3FA6]  }
0x30: {  	s3 =	sld [smem:$0x3FA9]  }
0x31: {  	[smem:$0x3FB2] =	sst s10  }
0x32: {  	s10 =	sld [smem:$0x3FB0];
	_ =	sdelay $0x3  }
0x33: {  	p0 =	seq.s32 s10, $0x1;
	s10 =	sld [smem:$0x3FB2];
	_ =	sdelay $0x3  }
0x34: {  	[smem:$0x3FB2] =	sst s10  }
0x35: {  	s10 =	sld [smem:$0x3FB1];
	_ =	sdelay $0x3  }
0x36: {  	p1 =	seq.s32 s10, $0x1;
	s10 =	sld [smem:$0x3FB2];
	_ =	sdelay $0x3  }
0x37: {  	[smem:$0x3FB2] =	sst s10  }
0x38: {  	s10 =	sld [smem:$0x3FB3]  }
0x39: {  	_ = 	snop;
	(pc) =	sbr.ind lr, $3  }
0x3a: {  	_ = 	snop  }
0x3b: {  	_ = 	snop  }
0x3c: {  	p2 =	seq.s32 s10, $0x1;
	s10 =	sld [smem:$0x3FB2]  }
0x3d: {  	_ =	shalt  }
0x3e: {  	_ =	shalt  }
0x3f: {  	_ =	shalt  }
0x40: {  	_ =	shalt  }
0x41: {  	_ =	shalt  }
0x42: {  	_ =	shalt  }
0x43: {  	_ =	shalt  }
0x44: {  	_ =	shalt  }
0x45: {  	_ =	shalt  }
0x46: {  	_ =	shalt  }
0x47: {  	_ =	shalt  }
0x48: {  	_ =	shalt  }
0x49: {  	_ =	shalt  }
0x4a: {  	_ =	shalt  }
0x4b: {  	_ =	shalt  }
0x4c: {  	_ =	shalt  }
0x4d: {  	_ =	shalt  }
0x4e: {  	_ =	shalt  }
0x4f: {  	_ =	shalt  }
0x50: {  	_ =	shalt  }
0x51: {  	_ =	shalt  }
0x52: {  	_ =	shalt  }
0x53: {  	_ =	shalt  }
0x54: {  	_ =	shalt  }
0x55: {  	_ =	shalt  }
0x56: {  	_ =	shalt  }
0x57: {  	_ =	shalt  }
0x58: {  	_ =	shalt  }
0x59: {  	_ =	shalt  }
0x5a: {  	_ =	shalt  }
0x5b: {  	_ =	shalt  }
0x5c: {  	_ =	shalt  }
0x5d: {  	_ =	shalt  }
0x5e: {  	_ =	shalt  }
0x5f: {  	_ =	shalt  }
0x60: {  	_ =	shalt  }
0x61: {  	_ =	shalt  }
0x62: {  	_ =	shalt  }
0x63: {  	_ =	shalt  }
0x64: {  	_ =	shalt  }
0x65: {  	_ =	shalt  }
0x66: {  	_ =	shalt  }
0x67: {  	_ =	shalt  }
0x68: {  	_ =	shalt  }
0x69: {  	_ =	shalt  }
0x6a: {  	_ =	shalt  }
0x6b: {  	_ =	shalt  }
0x6c: {  	_ =	shalt  }
0x6d: {  	_ =	shalt  }
0x6e: {  	_ =	shalt  }
0x6f: {  	_ =	shalt  }
0x70: {  	_ =	shalt  }
0x71: {  	_ =	shalt  }
0x72: {  	_ =	shalt  }
0x73: {  	_ =	shalt  }
0x74: {  	_ =	shalt  }
0x75: {  	_ =	shalt  }
0x76: {  	_ =	shalt  }
0x77: {  	_ =	shalt  }
0x78: {  	_ =	shalt  }
0x79: {  	_ =	shalt  }
0x7a: {  	_ =	shalt  }
0x7b: {  	_ =	shalt  }
0x7c: {  	_ =	shalt  }
0x7d: {  	_ =	shalt  }
0x7e: {  	_ =	shalt  }
0x7f: {  	_ =	shalt  }
0x80: {  	_ =	shalt  }
0x81: {  	_ =	shalt  }
0x82: {  	_ =	shalt  }
0x83: {  	_ =	shalt  }
0x84: {  	_ =	shalt  }
0x85: {  	_ =	shalt  }
0x86: {  	_ =	shalt  }
0x87: {  	_ =	shalt  }
.Lfunc_end0:
.L_simem_size_0:
called_computation.1_lowered:
.L_overlay_start_0:
0x88: {  	s2 =	sld [smem:$0x3FD9]  }
0x89: {  	s3 =	sld [smem:$0x3FFE];
	_ =	sdelay $0x1  }
0x8a: {  	s1 =	srdreg.scid  }
0x8b: {  	s0 =	sand.u32 $0x1, s1  }
0x8c: {  	s16 =	sshll.u32 s0, $0xA;
	s2 =	sadd.s32 s3, s2  }
0x8d: {  	s2 =	sadd.s32 s2, s16  }
0x8e: {  	[smem:$0x3FBE] =	sst s2  }
0x8f: {  	_ = 	snop  }
0x90: {  	(tm) =	ssettm $0x1  }
0x91: {  	s17 =	sld [smem:$0x3FFB];
	_ =	sdelay $0x3  }
0x92: {  	_ =	strace s17  }
0x93: {  	s2 =	sld [smem:$0x3FFC];
	_ =	sdelay $0x3  }
0x94: {  	_ =	strace s2  }
0x95: {  	s2 =	sld [smem:$0x3FFD];
	_ =	sdelay $0x3  }
0x96: {  	_ =	strace s2  }
0x97: {  	_ =	strace $0x8FFFFFFF  }
0x98: {  	s18 =	sld [smem:$0x3FDB];
	_ =	sdelay $0x1  }
0x99: {  	s19 =	simm.s32 $_scs_section_size  }
0x9a: {  	s4 =	simm.s32 $_size__tile_overlayer_lowered;
	s5 =	simm.s32 $_tile_overlayer_lowered  }
0x9b: {  	s22 =	simm.s32 $0x1BFF;
	s21 =	sshll.u32 s5, $0x1;
	s2 =	sadd.s32 s19, s18  }
0x9c: {  	s6 =	simm.s32 $0x0;
	s20 =	sshll.u32 s4, $0x1;
	s4 =	sadd.s32 s21, s2  }
0x9d: {  	[timem:s6], [sflag:s22] =	dma.local [hbm:s4], s20  }
0x9e: {  	_ =	swait.ge [sflag:s22], s20  }
0x9f: {  	s3 =	ssub.s32 $0x0, s20;
	[sflag:s22] =	ssyncset.done $0x0  }
0xa0: {  	[sflag:s22] =	ssyncadd.s32 s3;
	_ =	sdelay $0x1  }
0xa1: {  	s23 =	simm.s32 $0x1B8B  }
0xa2: {  	_ =	swait.ge [sflag:s23], $0x1  }
0xa3: {  	[sflag:s23] =	ssyncset.done $0x0  }
0xa4: {  	s25 =	simm.s32 $0x1B8E;
	s24 =	sld [smem:$0x3FFE];
	[sflag:s23] =	ssyncadd.s32 $0xFFFFFFFF  }
0xa5: {  	s26 =	simm.s32 $execute0_lowered;
	[smem:$0x3FD2] =	sst s25  }
0xa6: {  	s4 =	sshll.u32 s26, $0x1;
	_ =	strace $0x80000049;
	[dreg:$0x1] =	wrdreg $0xFFFFFFFF  }
0xa7: {  	s28 =	simm.s32 $_size_execute0_lowered;
	s2 =	sadd.s32 s2, s4;
	[dreg:$0x0] =	wrdreg $0x0  }
0xa8: {  	s4 =	sshll.u32 s28, $0x1;
	[dreg:$0x2] =	wrdreg s2  }
0xa9: {  	[dreg:$0x3] =	wrdreg s4  }
0xaa: {  	[dreg:$0x4] =	wrdreg $0xC0  }
0xab: {  	_ =	task [dreg:s6], $0x5FFFF  }
0xac: {  	[dreg:$0x1] =	wrdreg $0xFFFFFFFF  }
0xad: {  	[dreg:$0x0] =	wrdreg $0x60  }
0xae: {  	[dreg:$0x2] =	wrdreg s24  }
0xaf: {  	[dreg:$0x3] =	wrdreg $0x82000  }
0xb0: {  	[dreg:$0x4] =	wrdreg $0x9  }
0xb1: {  	_ =	task.clear_ibuf [dreg:s6], $0x5FFFF;
	_ =	strace $0x90000049  }
0xb2: {  	s29 =	simm.s32 $0x9;
	_ =	strace $0x8000004B  }
0xb3: {  	_ =	swait.ge [sflag:s29], $0x1  }
0xb4: {  	[sflag:s29] =	ssyncadd.s32 $0xFFFFFFFF  }
0xb5: {  	_ =	strace $0x9000004B  }
0xb6: {  	_ =	sfence  }
0xb7: {  	s30 =	sld [smem:$0x0];
	_ =	sdelay $0x2  }
0xb8: {  	s31 =	sshll.u32 s1, $0xD;
	s1 =	sshrl.u32 s1, $0x2  }
0xb9: {  	s3 =	sand.u32 $0x4000, s31;
	s1 =	sadd.s32 s1, s30  }
0xba: {  	s0 =	sor.u32 s3, s0;
	s1 =	sshll.u32 s1, $0x11  }
0xbb: {  	s0 =	sor.u32 s1, s0  }
0xbc: {  	s0 =	sadd.s32 $0x8F2B, s0  }
0xbd: {  	[sflag:s0] =	ssyncadd.remote.s32 $0x1  }
0xbe: {  	_ =	sfence.sel $0xFFFF  }
0xbf: {  	[dreg:$0x0] =	wrdreg $0xFFFFFFFF;
	(pc) =	sbr.abs _section_cstart, $3  }
0xc0: {  	[dreg:$0x1] =	wrdreg $0xFFFFFFFF  }
0xc1: {  	_ =	task.clear_ibuf [dreg:s6], $0x2FFFF;
	_ =	strace $0x9FFFFFFF  }
0xc2: {  	(tm) =	ssettm $0x7FFFFFFF  }
0xc3: {  	_ =	shalt  }
tec
execute0_lowered:
.L_overlay_start_1:
0x0: {  	(tag) =	ssettag $0x1  }
0x1: {  	s5 =	rddreg [dreg:$0x0]  }
0x2: {  	s1 =	rddreg [dreg:$0x1];
	s2 =	srdreg.scid  }
0x3: {  	s0 =	rddreg [dreg:$0x2];
	s3 =	simm.s32 $0x0;
	s13 =	simm.s32 $0x80  }
0x4: {  	s14 =	simm.s32 $0x200;
	s15 =	simm.s32 $0x4200;
	s6 =	sand.u32 $0x1, s2  }
0x5: {  	s16 =	simm.s32 $0x2;
	s2 =	stileid.u32;
	s7 =	smul.u32 $0xA000, s6  }
0x6: {  	s17 =	simm.s32 $0x3;
	s18 =	simm.s32 $0x180;
	s19 =	smul.u32 $0x2800, s2  }
0x7: {  	[smem:$0x7FF] =	sst s3;
	s4 =	sadd.s32 $0x17A00, s5;
	s8 =	smul.u32 $0x28000, s6  }
0x8: {  	_ =	strace $0x8000004A;
	s9 =	smul.u32 $0x50000, s2;
	s29 =	ssub.s32 $0x2, s6  }
0x9: {  	s11 =	smul.u32 $0xA00, s2;
	s30 =	sshll.u32 s2, $0x6;
	s6 =	sshrl.u32 s29, $0x1  }
0xa: {  	s7 =	sadd.s32 s7, s5;
	s10 =	sadd.s32 s19, s5;
	s8 =	sadd.s32 s8, s5  }
0xb: {  	s9 =	sshrl.u32 s9, $0x2;
	s12 =	ssub.s32 s29, s6;
	s6 =	sor.u32 $0x1C04, s30  }
0xc: {  	s9 =	sadd.s32 s9, s1;
	s5 =	sadd.s32 $0x3FA00, s10;
	s31 =	sadd.s32 s11, s7  }
0xd: {  	s20 =	sadd.s32 $0x67A00, s8;
	s7 =	smax.u32 s12, $0x1;
	s10 =	simm.s32 $0x4  }
0xe: {  	s11 =	simm.s32 $0x100;
	s12 =	simm.s32 $0x1;
	s8 =	sadd.s32 $0x3A00, s31  }
0xf: {  	s9 =	sshrl.u32 s9, $0x3;
	s19 =	sadd.s32 s19, s20;
	s20 =	simm.s32 $0x0  }
.LBB2_1:
0x10: {  	[spmem:s9], [sflag:s6] =	dma.local [hbm:s5], $0x2800  }
0x11: {  	_ =	swait.ge [sflag:s10], $0x2800  }
0x12: {  	[sflag:s10] =	ssyncset.done $0x0  }
0x13: {  	[sflag:s10] =	ssyncadd.s32 $0xFFFFD800  }
0x14: {  	s21 =	sadd.s32 $0x0, s8;
	[bflag:$0x0] =	sbarrier.arrive $0xFFFF  }
0x15: {  	[tilespmem:s3], [sflag:$0x1] =	stream.linear.gather [hbm4b:s21+s3], $0x100, $0x38;
	[tilespmem:$0x1C200] =	vst v63  }
0x16: {  	s21 =	sadd.s32 $0x20, s21  }
0x17: {  	[tilespmem:s11], [sflag:$0x1] =	stream.linear.gather [hbm4b:s21+s3], $0x100, $0x38;
	[tilespmem:$0x1C200] =	vst v63  }
0x18: {  	_ =	swait.ge [sflag:s12], $0x100  }
0x19: {  	[sflag:s12] =	ssyncset.done $0x0  }
0x1a: {  	[sflag:s12] =	ssyncadd.s32 $0xFFFFFF00  }
0x1b: {  	_ =	swait.ge [sflag:s12], $0x100  }
0x1c: {  	[sflag:s12] =	ssyncset.done $0x0  }
0x1d: {  	[sflag:s12] =	ssyncadd.s32 $0xFFFFFF00  }
0x1e: {  	[tilespmem:s14], [sflag:$0x2] =	stream.indirect.gather [hbm4b:s4+s13], $0x80, s3, s13, $0xb8;
	[tilespmem:$0x1C200] =	vst v63  }
0x1f: {  	_ = 	snop  }
0x20: {  	[tilespmem:s15], [sflag:$0x3] =	stream.indirect.gather [hbm4b:s4+s13], $0x80, s11, s13, $0xb8;
	[tilespmem:$0x1C200] =	vst v63  }
0x21: {  	_ =	swait.ge [sflag:s16], $0x4000  }
0x22: {  	[sflag:s16] =	ssyncset.done $0x0  }
0x23: {  	[sflag:s16] =	ssyncadd.s32 $0xFFFFC000  }
0x24: {  	[spmem:s1] =	stream.indirect.scatter.add.f32 [tilespmem:s14], [sflag:$0x4], $0x80, s13, s13, $0xb8;
	[tilespmem:$0x1C200] =	vst v63  }
0x25: {  	_ =	swait.ge [sflag:s10], $0x4000  }
0x26: {  	[sflag:s10] =	ssyncset.done $0x0  }
0x27: {  	[sflag:s10] =	ssyncadd.s32 $0xFFFFC000  }
0x28: {  	_ =	swait.ge [sflag:s17], $0x4000  }
0x29: {  	[sflag:s17] =	ssyncset.done $0x0  }
0x2a: {  	[sflag:s17] =	ssyncadd.s32 $0xFFFFC000  }
0x2b: {  	[spmem:s1] =	stream.indirect.scatter.add.f32 [tilespmem:s15], [sflag:$0x4], $0x80, s18, s13, $0xb8;
	[tilespmem:$0x1C200] =	vst v63  }
0x2c: {  	_ =	swait.ge [sflag:s10], $0x4000  }
0x2d: {  	s22 =	simm.s32 $0x80;
	s21 =	simm.s32 $0x40;
	[sflag:s10] =	ssyncset.done $0x0  }
.LBB2_2:
0x2e: {  	s23 =	sadd.s32 s21, s8  }
0x2f: {  	[sflag:s10] =	ssyncadd.s32 $0xFFFFC000;
	s21 =	smov.u32 s22;
	s24 =	sadd.s32 $0x40, s22  }
0x30: {  	[tilespmem:s3], [sflag:$0x1] =	stream.linear.gather [hbm4b:s23+s3], $0x100, $0x38;
	[tilespmem:$0x1C200] =	vst v63  }
0x31: {  	p0 =	sne.s32 s22, $0x9C0;
	s22 =	sadd.s32 $0x20, s23  }
0x32: {  	[tilespmem:s11], [sflag:$0x1] =	stream.linear.gather [hbm4b:s22+s3], $0x100, $0x38;
	[tilespmem:$0x1C200] =	vst v63  }
0x33: {  	_ =	swait.ge [sflag:s12], $0x100  }
0x34: {  	[sflag:s12] =	ssyncset.done $0x0  }
0x35: {  	[sflag:s12] =	ssyncadd.s32 $0xFFFFFF00  }
0x36: {  	_ =	swait.ge [sflag:s12], $0x100  }
0x37: {  	[sflag:s12] =	ssyncset.done $0x0  }
0x38: {  	[sflag:s12] =	ssyncadd.s32 $0xFFFFFF00  }
0x39: {  	[tilespmem:s14], [sflag:$0x2] =	stream.indirect.gather [hbm4b:s4+s13], $0x80, s3, s13, $0xb8;
	[tilespmem:$0x1C200] =	vst v63  }
0x3a: {  	_ = 	snop  }
0x3b: {  	[tilespmem:s15], [sflag:$0x3] =	stream.indirect.gather [hbm4b:s4+s13], $0x80, s11, s13, $0xb8;
	[tilespmem:$0x1C200] =	vst v63  }
0x3c: {  	_ =	swait.ge [sflag:s16], $0x4000  }
0x3d: {  	[sflag:s16] =	ssyncset.done $0x0  }
0x3e: {  	[sflag:s16] =	ssyncadd.s32 $0xFFFFC000  }
0x3f: {  	[spmem:s1] =	stream.indirect.scatter.add.f32 [tilespmem:s14], [sflag:$0x4], $0x80, s13, s13, $0xb8;
	[tilespmem:$0x1C200] =	vst v63  }
0x40: {  	_ =	swait.ge [sflag:s10], $0x4000  }
0x41: {  	[sflag:s10] =	ssyncset.done $0x0  }
0x42: {  	[sflag:s10] =	ssyncadd.s32 $0xFFFFC000  }
0x43: {  	_ =	swait.ge [sflag:s17], $0x4000  }
.Ltmp0:
0x44: {  	[sflag:s17] =	ssyncset.done $0x0;
	(pc) =	sbr.rel @p0 .LBB2_2-.Ltmp0, $4  }
0x45: {  	[sflag:s17] =	ssyncadd.s32 $0xFFFFC000  }
0x46: {  	[spmem:s1] =	stream.indirect.scatter.add.f32 [tilespmem:s15], [sflag:$0x4], $0x80, s18, s13, $0xb8;
	[tilespmem:$0x1C200] =	vst v63  }
0x47: {  	_ =	swait.ge [sflag:s10], $0x4000  }
0x48: {  	s22 =	smov.u32 s24;
	[sflag:s10] =	ssyncset.done $0x0  }
0x49: {  	s21 =	sadd.s32 s21, s8;
	[sflag:s10] =	ssyncadd.s32 $0xFFFFC000  }
0x4a: {  	[tilespmem:s3], [sflag:$0x1] =	stream.linear.gather [hbm4b:s21+s3], $0x100, $0x38;
	[tilespmem:$0x1C200] =	vst v63  }
0x4b: {  	s21 =	sadd.s32 $0x20, s21  }
0x4c: {  	[tilespmem:s11], [sflag:$0x1] =	stream.linear.gather [hbm4b:s21+s3], $0x100, $0x38;
	[tilespmem:$0x1C200] =	vst v63  }
0x4d: {  	_ =	swait.ge [sflag:s12], $0x100  }
0x4e: {  	[sflag:s12] =	ssyncset.done $0x0  }
0x4f: {  	[sflag:s12] =	ssyncadd.s32 $0xFFFFFF00  }
0x50: {  	_ =	swait.ge [sflag:s12], $0x100  }
0x51: {  	[sflag:s12] =	ssyncset.done $0x0  }
0x52: {  	[sflag:s12] =	ssyncadd.s32 $0xFFFFFF00  }
0x53: {  	[tilespmem:s14], [sflag:$0x2] =	stream.indirect.gather [hbm4b:s4+s13], $0x80, s3, s13, $0xb8;
	[tilespmem:$0x1C200] =	vst v63  }
0x54: {  	_ = 	snop  }
0x55: {  	[tilespmem:s15], [sflag:$0x3] =	stream.indirect.gather [hbm4b:s4+s13], $0x80, s11, s13, $0xb8;
	[tilespmem:$0x1C200] =	vst v63  }
0x56: {  	_ =	swait.ge [sflag:s16], $0x4000  }
0x57: {  	[sflag:s16] =	ssyncset.done $0x0  }
0x58: {  	[sflag:s16] =	ssyncadd.s32 $0xFFFFC000  }
0x59: {  	[spmem:s1] =	stream.indirect.scatter.add.f32 [tilespmem:s14], [sflag:$0x4], $0x80, s13, s13, $0xb8;
	[tilespmem:$0x1C200] =	vst v63  }
0x5a: {  	_ =	swait.ge [sflag:s10], $0x4000  }
0x5b: {  	[sflag:s10] =	ssyncset.done $0x0  }
0x5c: {  	[sflag:s10] =	ssyncadd.s32 $0xFFFFC000  }
0x5d: {  	_ =	swait.ge [sflag:s17], $0x4000  }
0x5e: {  	[sflag:s17] =	ssyncset.done $0x0  }
0x5f: {  	[sflag:s17] =	ssyncadd.s32 $0xFFFFC000  }
0x60: {  	[spmem:s1] =	stream.indirect.scatter.add.f32 [tilespmem:s15], [sflag:$0x4], $0x80, s18, s13, $0xb8;
	[tilespmem:$0x1C200] =	vst v63  }
0x61: {  	_ =	swait.ge [sflag:s10], $0x4000  }
0x62: {  	s20 =	sadd.s32 $0x1, s20;
	[sflag:s10] =	ssyncset.done $0x0  }
0x63: {  	p0 =	sne.s32 s20, s7;
	[sflag:s10] =	ssyncadd.s32 $0xFFFFC000  }
.Ltmp1:
0x64: {  	[bflag:$0x0] =	sbarrier.arrive $0xFFFF;
	(pc) =	sbr.rel @p0 .LBB2_1-.Ltmp1, $4  }
0x65: {  	[hbm:s19], [sflag:s6] =	dma.local [spmem:s9], $0x2800  }
0x66: {  	_ =	swait.ge [sflag:s10], $0x2800  }
0x67: {  	[sflag:s10] =	ssyncset.done $0x0  }
0x68: {  	[sflag:s10] =	ssyncadd.s32 $0xFFFFD800  }
0x69: {  	_ =	sfence.sel $0x180000  }
0x6a: {  	[bflag:$0x0] =	sbarrier.arrive $0xFFFF  }
0x6b: {  	p0 =	sne.s32 s2, $0x0;
	_ =	strace $0x9000004A  }
0x6c: {  	s0 =	sadd.s32 @!p0 $0x100000, s0;
	[bflag:$0x2] =	sbarrier.arrive $0xFFFF  }
0x6d: {  	[sflag:s0] =	ssyncadd.tile.s32 @!p0 $0x1;
	_ =	shalt  }
.Lfunc_end2:
_tile_overlayer_lowered:
.L_overlay_start_2:
0x6e: {  	(tag) =	ssettag $0x2  }
0x6f: {  	s0 =	rddreg [dreg:$0x0];
	s2 =	stileid.u32  }
0x70: {  	s1 =	rddreg [dreg:$0x1];
	p0 =	sne.s32 s2, $0x0  }
0x71: {  	s3 =	rddreg [dreg:$0x2];
	[bflag:$0x3] =	sbarrier.arrive $0xFFFF;
	s2 =	simm.s32 @!p0 $0x1C04  }
0x72: {  	[timem:s3], [sflag:s2] =	dma.local @!p0 [hbm:s0], s1  }
0x73: {  	s0 =	simm.s32 @!p0 $0x4  }
0x74: {  	_ =	swait.ge @!p0 [sflag:s0], s1  }
0x75: {  	s1 =	ssub.s32 @!p0 $0x0, s1;
	[sflag:s0] =	ssyncset.done @!p0 $0x0  }
0x76: {  	[sflag:s0] =	ssyncadd.s32 @!p0 s1  }
0x77: {  	[bflag:$0x3] =	sbarrier.arrive $0xFFFF  }
0x78: {  	_ =	shalt  }

// kernel: kernel.16.cloned.1.call-start
scs
__scs_entry_jumppad:
0x0: {  	(pc) =	sbr.rel $0x88, $3  }
0x1: {  	(tag) =	ssettag $0x0;
	lr =	simm.s32 $0x1  }
0x2: {  	[smem:$0x3F97] =	sst lr;
	_ =	strace $0xD0000000  }
0x3: {  	_ = 	snop  }
0x4: {  	_ = 	snop  }
0x5: {  	_ = 	snop  }
0x6: {  	_ = 	snop  }
0x7: {  	_ = 	snop  }
__scs_overlays_trampoline_lowered:
0x8: {  	[smem:$0x3FA6] =	sst s0  }
0x9: {  	[smem:$0x3FA7] =	sst s1  }
0xa: {  	[smem:$0x3FA8] =	sst s2  }
0xb: {  	[smem:$0x3FA9] =	sst s3  }
0xc: {  	[smem:$0x3FAA] =	sst s4  }
0xd: {  	[smem:$0x3FAB] =	sst s5  }
0xe: {  	[smem:$0x3FAC] =	sst s6  }
0xf: {  	[smem:$0x3FAD] =	sst s7  }
0x10: {  	[smem:$0x3FAE] =	sst s8  }
0x11: {  	[smem:$0x3FAF] =	sst s9;
	s0 =	simm.s32 @!p0 $0x0  }
0x12: {  	s1 =	sld [smem:$0x3F95];
	s0 =	simm.s32 @p0 $0x1  }
0x13: {  	[smem:$0x3FB0] =	sst s0;
	s0 =	simm.s32 @!p1 $0x0  }
0x14: {  	s2 =	sld [smem:$0x3F94];
	s0 =	simm.s32 @p1 $0x1  }
0x15: {  	[smem:$0x3FB1] =	sst s0;
	s0 =	simm.s32 @!p2 $0x0  }
0x16: {  	s3 =	sld [smem:$0x3FDB];
	s0 =	simm.s32 @p2 $0x1  }
0x17: {  	s4 =	simm.s32 $0x1BF5;
	[smem:$0x3FB3] =	sst s0  }
0x18: {  	s0 =	sld [smem:$0x3F96];
	_ =	swait.ge [sflag:s4], $0x0  }
0x19: {  	s7 =	sld [smem:$0x3F97]  }
0x1a: {  	s8 =	sadd.s32 $0xFFFFE003, lr  }
0x1b: {  	s9 =	sadd.s32 $0xFFFFFEF7, lr;
	s5 =	simm.s32 $0xFFFFFFFF;
	p2 =	slt.u32 s8, $0xFFFFF086  }
0x1c: {  	p1 =	slt.u32 s9, $0xF7A;
	s5 =	simm.s32 @!p2 $0x0  }
0x1d: {  	s5 =	simm.s32 @p1 $0x1;
	p0 =	seq.s32 s7, s2  }
0x1e: {  	s7 =	smul.u32 @!p0 $0xF7A, s2;
	p2 =	seq.s32 @!p0 s5, $0x0  }
0x1f: {  	s9 =	smul.u32 $0xF7A, s1;
	s8 =	simm.s32 @!p0 $0x1BF5;
	p2 =	por !p2, p0  }
0x20: {  	[sflag:s8] =	ssyncset.s32 @!p0 $0xFFFFF086;
	s6 =	sadd.s32 @!p0 s3, s7;
	s7 =	simm.s32 @!p0 $0x108  }
0x21: {  	s3 =	sadd.s32 s3, s9;
	s6 =	sadd.s32 @!p0 $0x88, s6;
	s7 =	simm.s32 @p2 $0x1082  }
0x22: {  	[simem:s7], [sflag:s8] =	dma.local @!p0 [hbm:s6], $0xF7A  }
0x23: {  	s9 =	sor.u32 $0xD0000000, s2;
	s6 =	simm.s32 $0x108;
	_ =	swait.ge @!p0 [sflag:s8], $0x0  }
0x24: {  	s3 =	sadd.s32 $0x88, s3;
	s6 =	simm.s32 @!p1 $0x1082;
	[sflag:s4] =	ssyncset.s32 $0xFFFFF086  }
0x25: {  	[simem:s6], [sflag:s4] =	dma.local [hbm:s3], $0xF7A  }
0x26: {  	[smem:$0x3F97] =	sst s1;
	(tag) =	ssettag s2;
	_ =	strace s9  }
0x27: {  	s1 =	sld [smem:$0x3FA7]  }
0x28: {  	s2 =	sld [smem:$0x3FA8]  }
0x29: {  	s4 =	sld [smem:$0x3FAA]  }
0x2a: {  	p0 =	seq.s32 s5, $0x0;
	s5 =	sld [smem:$0x3FAB]  }
0x2b: {  	s6 =	sld [smem:$0x3FAC]  }
0x2c: {  	s7 =	sld [smem:$0x3FAD]  }
0x2d: {  	s3 =	simm.s32 $0x108;
	s8 =	sld [smem:$0x3FAE]  }
0x2e: {  	s3 =	simm.s32 @!p0 $0x1082;
	s9 =	sld [smem:$0x3FAF]  }
0x2f: {  	lr =	sadd.s32 s0, s3;
	s0 =	sld [smem:$0x3FA6]  }
0x30: {  	s3 =	sld [smem:$0x3FA9]  }
0x31: {  	[smem:$0x3FB2] =	sst s10  }
0x32: {  	s10 =	sld [smem:$0x3FB0];
	_ =	sdelay $0x3  }
0x33: {  	p0 =	seq.s32 s10, $0x1;
	s10 =	sld [smem:$0x3FB2];
	_ =	sdelay $0x3  }
0x34: {  	[smem:$0x3FB2] =	sst s10  }
0x35: {  	s10 =	sld [smem:$0x3FB1];
	_ =	sdelay $0x3  }
0x36: {  	p1 =	seq.s32 s10, $0x1;
	s10 =	sld [smem:$0x3FB2];
	_ =	sdelay $0x3  }
0x37: {  	[smem:$0x3FB2] =	sst s10  }
0x38: {  	s10 =	sld [smem:$0x3FB3]  }
0x39: {  	_ = 	snop;
	(pc) =	sbr.ind lr, $3  }
0x3a: {  	_ = 	snop  }
0x3b: {  	_ = 	snop  }
0x3c: {  	p2 =	seq.s32 s10, $0x1;
	s10 =	sld [smem:$0x3FB2]  }
0x3d: {  	_ =	shalt  }
0x3e: {  	_ =	shalt  }
0x3f: {  	_ =	shalt  }
0x40: {  	_ =	shalt  }
0x41: {  	_ =	shalt  }
0x42: {  	_ =	shalt  }
0x43: {  	_ =	shalt  }
0x44: {  	_ =	shalt  }
0x45: {  	_ =	shalt  }
0x46: {  	_ =	shalt  }
0x47: {  	_ =	shalt  }
0x48: {  	_ =	shalt  }
0x49: {  	_ =	shalt  }
0x4a: {  	_ =	shalt  }
0x4b: {  	_ =	shalt  }
0x4c: {  	_ =	shalt  }
0x4d: {  	_ =	shalt  }
0x4e: {  	_ =	shalt  }
0x4f: {  	_ =	shalt  }
0x50: {  	_ =	shalt  }
0x51: {  	_ =	shalt  }
0x52: {  	_ =	shalt  }
0x53: {  	_ =	shalt  }
0x54: {  	_ =	shalt  }
0x55: {  	_ =	shalt  }
0x56: {  	_ =	shalt  }
0x57: {  	_ =	shalt  }
0x58: {  	_ =	shalt  }
0x59: {  	_ =	shalt  }
0x5a: {  	_ =	shalt  }
0x5b: {  	_ =	shalt  }
0x5c: {  	_ =	shalt  }
0x5d: {  	_ =	shalt  }
0x5e: {  	_ =	shalt  }
0x5f: {  	_ =	shalt  }
0x60: {  	_ =	shalt  }
0x61: {  	_ =	shalt  }
0x62: {  	_ =	shalt  }
0x63: {  	_ =	shalt  }
0x64: {  	_ =	shalt  }
0x65: {  	_ =	shalt  }
0x66: {  	_ =	shalt  }
0x67: {  	_ =	shalt  }
0x68: {  	_ =	shalt  }
0x69: {  	_ =	shalt  }
0x6a: {  	_ =	shalt  }
0x6b: {  	_ =	shalt  }
0x6c: {  	_ =	shalt  }
0x6d: {  	_ =	shalt  }
0x6e: {  	_ =	shalt  }
0x6f: {  	_ =	shalt  }
0x70: {  	_ =	shalt  }
0x71: {  	_ =	shalt  }
0x72: {  	_ =	shalt  }
0x73: {  	_ =	shalt  }
0x74: {  	_ =	shalt  }
0x75: {  	_ =	shalt  }
0x76: {  	_ =	shalt  }
0x77: {  	_ =	shalt  }
0x78: {  	_ =	shalt  }
0x79: {  	_ =	shalt  }
0x7a: {  	_ =	shalt  }
0x7b: {  	_ =	shalt  }
0x7c: {  	_ =	shalt  }
0x7d: {  	_ =	shalt  }
0x7e: {  	_ =	shalt  }
0x7f: {  	_ =	shalt  }
0x80: {  	_ =	shalt  }
0x81: {  	_ =	shalt  }
0x82: {  	_ =	shalt  }
0x83: {  	_ =	shalt  }
0x84: {  	_ =	shalt  }
0x85: {  	_ =	shalt  }
0x86: {  	_ =	shalt  }
0x87: {  	_ =	shalt  }
.Lfunc_end0:
.L_simem_size_0:
called_computation.2_lowered:
.L_overlay_start_0:
0x88: {  	s2 =	sld [smem:$0x3FD9]  }
0x89: {  	s3 =	sld [smem:$0x3FFE];
	_ =	sdelay $0x1  }
0x8a: {  	s1 =	srdreg.scid  }
0x8b: {  	s0 =	sand.u32 $0x1, s1  }
0x8c: {  	s16 =	sshll.u32 s0, $0xA;
	s2 =	sadd.s32 s3, s2  }
0x8d: {  	s2 =	sadd.s32 s2, s16  }
0x8e: {  	[smem:$0x3FBE] =	sst s2  }
0x8f: {  	_ = 	snop  }
0x90: {  	(tm) =	ssettm $0x1  }
0x91: {  	s17 =	sld [smem:$0x3FFB];
	_ =	sdelay $0x3  }
0x92: {  	_ =	strace s17  }
0x93: {  	s2 =	sld [smem:$0x3FFC];
	_ =	sdelay $0x3  }
0x94: {  	_ =	strace s2  }
0x95: {  	s2 =	sld [smem:$0x3FFD];
	_ =	sdelay $0x3  }
0x96: {  	_ =	strace s2  }
0x97: {  	_ =	strace $0x8FFFFFFF  }
0x98: {  	s18 =	sld [smem:$0x3FDB];
	_ =	sdelay $0x1  }
0x99: {  	s19 =	simm.s32 $_scs_section_size  }
0x9a: {  	s4 =	simm.s32 $_size__tile_overlayer_lowered;
	s5 =	simm.s32 $_tile_overlayer_lowered  }
0x9b: {  	s22 =	simm.s32 $0x1BFF;
	s21 =	sshll.u32 s5, $0x1;
	s2 =	sadd.s32 s19, s18  }
0x9c: {  	s6 =	simm.s32 $0x0;
	s20 =	sshll.u32 s4, $0x1;
	s4 =	sadd.s32 s21, s2  }
0x9d: {  	[timem:s6], [sflag:s22] =	dma.local [hbm:s4], s20  }
0x9e: {  	_ =	swait.ge [sflag:s22], s20  }
0x9f: {  	s3 =	ssub.s32 $0x0, s20;
	[sflag:s22] =	ssyncset.done $0x0  }
0xa0: {  	[sflag:s22] =	ssyncadd.s32 s3;
	_ =	sdelay $0x1  }
0xa1: {  	s23 =	simm.s32 $0x1B8B  }
0xa2: {  	_ =	swait.ge [sflag:s23], $0x1  }
0xa3: {  	[sflag:s23] =	ssyncset.done $0x0  }
0xa4: {  	s25 =	simm.s32 $0x1B8E;
	s24 =	sld [smem:$0x3FFE];
	[sflag:s23] =	ssyncadd.s32 $0xFFFFFFFF  }
0xa5: {  	s26 =	simm.s32 $execute0_lowered;
	[smem:$0x3FD2] =	sst s25  }
0xa6: {  	s4 =	sshll.u32 s26, $0x1;
	_ =	strace $0x8000004C;
	[dreg:$0x1] =	wrdreg $0xFFFFFFFF  }
0xa7: {  	s28 =	simm.s32 $_size_execute0_lowered;
	s2 =	sadd.s32 s2, s4;
	[dreg:$0x0] =	wrdreg $0x0  }
0xa8: {  	s4 =	sshll.u32 s28, $0x1;
	[dreg:$0x2] =	wrdreg s2  }
0xa9: {  	[dreg:$0x3] =	wrdreg s4  }
0xaa: {  	[dreg:$0x4] =	wrdreg $0xC0  }
0xab: {  	_ =	task [dreg:s6], $0x5FFFF  }
0xac: {  	[dreg:$0x1] =	wrdreg $0xFFFFFFFF  }
0xad: {  	[dreg:$0x0] =	wrdreg $0x60  }
0xae: {  	[dreg:$0x2] =	wrdreg s24  }
0xaf: {  	[dreg:$0x3] =	wrdreg $0x82000  }
0xb0: {  	[dreg:$0x4] =	wrdreg $0x9  }
0xb1: {  	_ =	task.clear_ibuf [dreg:s6], $0x5FFFF;
	_ =	strace $0x9000004C  }
0xb2: {  	s29 =	simm.s32 $0x9;
	_ =	strace $0x8000004E  }
0xb3: {  	_ =	swait.ge [sflag:s29], $0x1  }
0xb4: {  	[sflag:s29] =	ssyncadd.s32 $0xFFFFFFFF  }
0xb5: {  	_ =	strace $0x9000004E  }
0xb6: {  	_ =	sfence  }
0xb7: {  	s30 =	sld [smem:$0x0];
	_ =	sdelay $0x2  }
0xb8: {  	s31 =	sshll.u32 s1, $0xD;
	s1 =	sshrl.u32 s1, $0x2  }
0xb9: {  	s3 =	sand.u32 $0x4000, s31;
	s1 =	sadd.s32 s1, s30  }
0xba: {  	s0 =	sor.u32 s3, s0;
	s1 =	sshll.u32 s1, $0x11  }
0xbb: {  	s0 =	sor.u32 s1, s0  }
0xbc: {  	s0 =	sadd.s32 $0x8F2B, s0  }
0xbd: {  	[sflag:s0] =	ssyncadd.remote.s32 $0x1  }
0xbe: {  	_ =	sfence.sel $0xFFFF  }
0xbf: {  	[dreg:$0x0] =	wrdreg $0xFFFFFFFF;
	(pc) =	sbr.abs _section_cstart, $3  }
0xc0: {  	[dreg:$0x1] =	wrdreg $0xFFFFFFFF  }
0xc1: {  	_ =	task.clear_ibuf [dreg:s6], $0x2FFFF;
	_ =	strace $0x9FFFFFFF  }
0xc2: {  	(tm) =	ssettm $0x7FFFFFFF  }
0xc3: {  	_ =	shalt  }
tec
execute0_lowered:
.L_overlay_start_1:
0x0: {  	(tag) =	ssettag $0x1  }
0x1: {  	s5 =	rddreg [dreg:$0x0]  }
0x2: {  	s1 =	rddreg [dreg:$0x1];
	s2 =	srdreg.scid  }
0x3: {  	s0 =	rddreg [dreg:$0x2];
	s3 =	simm.s32 $0x0;
	s13 =	simm.s32 $0x80  }
0x4: {  	s14 =	simm.s32 $0x200;
	s15 =	simm.s32 $0x4200;
	s6 =	sand.u32 $0x1, s2  }
0x5: {  	s16 =	simm.s32 $0x2;
	s2 =	stileid.u32;
	s7 =	smul.u32 $0xA000, s6  }
0x6: {  	s17 =	simm.s32 $0x3;
	s18 =	simm.s32 $0x180;
	s19 =	smul.u32 $0x2800, s2  }
0x7: {  	[smem:$0x7FF] =	sst s3;
	s4 =	sadd.s32 $0x17A00, s5;
	s8 =	smul.u32 $0x28000, s6  }
0x8: {  	_ =	strace $0x8000004D;
	s9 =	smul.u32 $0x50000, s2;
	s29 =	ssub.s32 $0x2, s6  }
0x9: {  	s11 =	smul.u32 $0xA00, s2;
	s30 =	sshll.u32 s2, $0x6;
	s6 =	sshrl.u32 s29, $0x1  }
0xa: {  	s7 =	sadd.s32 s7, s5;
	s10 =	sadd.s32 s19, s5;
	s8 =	sadd.s32 s8, s5  }
0xb: {  	s9 =	sshrl.u32 s9, $0x2;
	s12 =	ssub.s32 s29, s6;
	s6 =	sor.u32 $0x1C04, s30  }
0xc: {  	s9 =	sadd.s32 s9, s1;
	s5 =	sadd.s32 $0x3FA00, s10;
	s31 =	sadd.s32 s11, s7  }
0xd: {  	s20 =	sadd.s32 $0x67A00, s8;
	s7 =	smax.u32 s12, $0x1;
	s10 =	simm.s32 $0x4  }
0xe: {  	s11 =	simm.s32 $0x100;
	s12 =	simm.s32 $0x1;
	s8 =	sadd.s32 $0x3A00, s31  }
0xf: {  	s9 =	sshrl.u32 s9, $0x3;
	s19 =	sadd.s32 s19, s20;
	s20 =	simm.s32 $0x0  }
.LBB2_1:
0x10: {  	[spmem:s9], [sflag:s6] =	dma.local [hbm:s5], $0x2800  }
0x11: {  	_ =	swait.ge [sflag:s10], $0x2800  }
0x12: {  	[sflag:s10] =	ssyncset.done $0x0  }
0x13: {  	[sflag:s10] =	ssyncadd.s32 $0xFFFFD800  }
0x14: {  	s21 =	sadd.s32 $0x0, s8;
	[bflag:$0x0] =	sbarrier.arrive $0xFFFF  }
0x15: {  	[tilespmem:s3], [sflag:$0x1] =	stream.linear.gather [hbm4b:s21+s3], $0x100, $0x38;
	[tilespmem:$0x1C200] =	vst v63  }
0x16: {  	s21 =	sadd.s32 $0x20, s21  }
0x17: {  	[tilespmem:s11], [sflag:$0x1] =	stream.linear.gather [hbm4b:s21+s3], $0x100, $0x38;
	[tilespmem:$0x1C200] =	vst v63  }
0x18: {  	_ =	swait.ge [sflag:s12], $0x100  }
0x19: {  	[sflag:s12] =	ssyncset.done $0x0  }
0x1a: {  	[sflag:s12] =	ssyncadd.s32 $0xFFFFFF00  }
0x1b: {  	_ =	swait.ge [sflag:s12], $0x100  }
0x1c: {  	[sflag:s12] =	ssyncset.done $0x0  }
0x1d: {  	[sflag:s12] =	ssyncadd.s32 $0xFFFFFF00  }
0x1e: {  	[tilespmem:s14], [sflag:$0x2] =	stream.indirect.gather [hbm4b:s4+s13], $0x80, s3, s13, $0xb8;
	[tilespmem:$0x1C200] =	vst v63  }
0x1f: {  	_ = 	snop  }
0x20: {  	[tilespmem:s15], [sflag:$0x3] =	stream.indirect.gather [hbm4b:s4+s13], $0x80, s11, s13, $0xb8;
	[tilespmem:$0x1C200] =	vst v63  }
0x21: {  	_ =	swait.ge [sflag:s16], $0x4000  }
0x22: {  	[sflag:s16] =	ssyncset.done $0x0  }
0x23: {  	[sflag:s16] =	ssyncadd.s32 $0xFFFFC000  }
0x24: {  	[spmem:s1] =	stream.indirect.scatter.add.f32 [tilespmem:s14], [sflag:$0x4], $0x80, s13, s13, $0xb8;
	[tilespmem:$0x1C200] =	vst v63  }
0x25: {  	_ =	swait.ge [sflag:s10], $0x4000  }
0x26: {  	[sflag:s10] =	ssyncset.done $0x0  }
0x27: {  	[sflag:s10] =	ssyncadd.s32 $0xFFFFC000  }
0x28: {  	_ =	swait.ge [sflag:s17], $0x4000  }
0x29: {  	[sflag:s17] =	ssyncset.done $0x0  }
0x2a: {  	[sflag:s17] =	ssyncadd.s32 $0xFFFFC000  }
0x2b: {  	[spmem:s1] =	stream.indirect.scatter.add.f32 [tilespmem:s15], [sflag:$0x4], $0x80, s18, s13, $0xb8;
	[tilespmem:$0x1C200] =	vst v63  }
0x2c: {  	_ =	swait.ge [sflag:s10], $0x4000  }
0x2d: {  	s22 =	simm.s32 $0x80;
	s21 =	simm.s32 $0x40;
	[sflag:s10] =	ssyncset.done $0x0  }
.LBB2_2:
0x2e: {  	s23 =	sadd.s32 s21, s8  }
0x2f: {  	[sflag:s10] =	ssyncadd.s32 $0xFFFFC000;
	s21 =	smov.u32 s22;
	s24 =	sadd.s32 $0x40, s22  }
0x30: {  	[tilespmem:s3], [sflag:$0x1] =	stream.linear.gather [hbm4b:s23+s3], $0x100, $0x38;
	[tilespmem:$0x1C200] =	vst v63  }
0x31: {  	p0 =	sne.s32 s22, $0x9C0;
	s22 =	sadd.s32 $0x20, s23  }
0x32: {  	[tilespmem:s11], [sflag:$0x1] =	stream.linear.gather [hbm4b:s22+s3], $0x100, $0x38;
	[tilespmem:$0x1C200] =	vst v63  }
0x33: {  	_ =	swait.ge [sflag:s12], $0x100  }
0x34: {  	[sflag:s12] =	ssyncset.done $0x0  }
0x35: {  	[sflag:s12] =	ssyncadd.s32 $0xFFFFFF00  }
0x36: {  	_ =	swait.ge [sflag:s12], $0x100  }
0x37: {  	[sflag:s12] =	ssyncset.done $0x0  }
0x38: {  	[sflag:s12] =	ssyncadd.s32 $0xFFFFFF00  }
0x39: {  	[tilespmem:s14], [sflag:$0x2] =	stream.indirect.gather [hbm4b:s4+s13], $0x80, s3, s13, $0xb8;
	[tilespmem:$0x1C200] =	vst v63  }
0x3a: {  	_ = 	snop  }
0x3b: {  	[tilespmem:s15], [sflag:$0x3] =	stream.indirect.gather [hbm4b:s4+s13], $0x80, s11, s13, $0xb8;
	[tilespmem:$0x1C200] =	vst v63  }
0x3c: {  	_ =	swait.ge [sflag:s16], $0x4000  }
0x3d: {  	[sflag:s16] =	ssyncset.done $0x0  }
0x3e: {  	[sflag:s16] =	ssyncadd.s32 $0xFFFFC000  }
0x3f: {  	[spmem:s1] =	stream.indirect.scatter.add.f32 [tilespmem:s14], [sflag:$0x4], $0x80, s13, s13, $0xb8;
	[tilespmem:$0x1C200] =	vst v63  }
0x40: {  	_ =	swait.ge [sflag:s10], $0x4000  }
0x41: {  	[sflag:s10] =	ssyncset.done $0x0  }
0x42: {  	[sflag:s10] =	ssyncadd.s32 $0xFFFFC000  }
0x43: {  	_ =	swait.ge [sflag:s17], $0x4000  }
.Ltmp0:
0x44: {  	[sflag:s17] =	ssyncset.done $0x0;
	(pc) =	sbr.rel @p0 .LBB2_2-.Ltmp0, $4  }
0x45: {  	[sflag:s17] =	ssyncadd.s32 $0xFFFFC000  }
0x46: {  	[spmem:s1] =	stream.indirect.scatter.add.f32 [tilespmem:s15], [sflag:$0x4], $0x80, s18, s13, $0xb8;
	[tilespmem:$0x1C200] =	vst v63  }
0x47: {  	_ =	swait.ge [sflag:s10], $0x4000  }
0x48: {  	s22 =	smov.u32 s24;
	[sflag:s10] =	ssyncset.done $0x0  }
0x49: {  	s21 =	sadd.s32 s21, s8;
	[sflag:s10] =	ssyncadd.s32 $0xFFFFC000  }
0x4a: {  	[tilespmem:s3], [sflag:$0x1] =	stream.linear.gather [hbm4b:s21+s3], $0x100, $0x38;
	[tilespmem:$0x1C200] =	vst v63  }
0x4b: {  	s21 =	sadd.s32 $0x20, s21  }
0x4c: {  	[tilespmem:s11], [sflag:$0x1] =	stream.linear.gather [hbm4b:s21+s3], $0x100, $0x38;
	[tilespmem:$0x1C200] =	vst v63  }
0x4d: {  	_ =	swait.ge [sflag:s12], $0x100  }
0x4e: {  	[sflag:s12] =	ssyncset.done $0x0  }
0x4f: {  	[sflag:s12] =	ssyncadd.s32 $0xFFFFFF00  }
0x50: {  	_ =	swait.ge [sflag:s12], $0x100  }
0x51: {  	[sflag:s12] =	ssyncset.done $0x0  }
0x52: {  	[sflag:s12] =	ssyncadd.s32 $0xFFFFFF00  }
0x53: {  	[tilespmem:s14], [sflag:$0x2] =	stream.indirect.gather [hbm4b:s4+s13], $0x80, s3, s13, $0xb8;
	[tilespmem:$0x1C200] =	vst v63  }
0x54: {  	_ = 	snop  }
0x55: {  	[tilespmem:s15], [sflag:$0x3] =	stream.indirect.gather [hbm4b:s4+s13], $0x80, s11, s13, $0xb8;
	[tilespmem:$0x1C200] =	vst v63  }
0x56: {  	_ =	swait.ge [sflag:s16], $0x4000  }
0x57: {  	[sflag:s16] =	ssyncset.done $0x0  }
0x58: {  	[sflag:s16] =	ssyncadd.s32 $0xFFFFC000  }
0x59: {  	[spmem:s1] =	stream.indirect.scatter.add.f32 [tilespmem:s14], [sflag:$0x4], $0x80, s13, s13, $0xb8;
	[tilespmem:$0x1C200] =	vst v63  }
0x5a: {  	_ =	swait.ge [sflag:s10], $0x4000  }
0x5b: {  	[sflag:s10] =	ssyncset.done $0x0  }
0x5c: {  	[sflag:s10] =	ssyncadd.s32 $0xFFFFC000  }
0x5d: {  	_ =	swait.ge [sflag:s17], $0x4000  }
0x5e: {  	[sflag:s17] =	ssyncset.done $0x0  }
0x5f: {  	[sflag:s17] =	ssyncadd.s32 $0xFFFFC000  }
0x60: {  	[spmem:s1] =	stream.indirect.scatter.add.f32 [tilespmem:s15], [sflag:$0x4], $0x80, s18, s13, $0xb8;
	[tilespmem:$0x1C200] =	vst v63  }
0x61: {  	_ =	swait.ge [sflag:s10], $0x4000  }
0x62: {  	s20 =	sadd.s32 $0x1, s20;
	[sflag:s10] =	ssyncset.done $0x0  }
0x63: {  	p0 =	sne.s32 s20, s7;
	[sflag:s10] =	ssyncadd.s32 $0xFFFFC000  }
.Ltmp1:
0x64: {  	[bflag:$0x0] =	sbarrier.arrive $0xFFFF;
	(pc) =	sbr.rel @p0 .LBB2_1-.Ltmp1, $4  }
0x65: {  	[hbm:s19], [sflag:s6] =	dma.local [spmem:s9], $0x2800  }
0x66: {  	_ =	swait.ge [sflag:s10], $0x2800  }
0x67: {  	[sflag:s10] =	ssyncset.done $0x0  }
0x68: {  	[sflag:s10] =	ssyncadd.s32 $0xFFFFD800  }
0x69: {  	_ =	sfence.sel $0x180000  }
0x6a: {  	[bflag:$0x0] =	sbarrier.arrive $0xFFFF  }
0x6b: {  	p0 =	sne.s32 s2, $0x0;
	_ =	strace $0x9000004D  }
0x6c: {  	s0 =	sadd.s32 @!p0 $0x100000, s0;
	[bflag:$0x2] =	sbarrier.arrive $0xFFFF  }
0x6d: {  	[sflag:s0] =	ssyncadd.tile.s32 @!p0 $0x1;
	_ =	shalt  }
.Lfunc_end2:
_tile_overlayer_lowered:
.L_overlay_start_2:
0x6e: {  	(tag) =	ssettag $0x2  }
0x6f: {  	s0 =	rddreg [dreg:$0x0];
	s2 =	stileid.u32  }
0x70: {  	s1 =	rddreg [dreg:$0x1];
	p0 =	sne.s32 s2, $0x0  }
0x71: {  	s3 =	rddreg [dreg:$0x2];
	[bflag:$0x3] =	sbarrier.arrive $0xFFFF;
	s2 =	simm.s32 @!p0 $0x1C04  }
0x72: {  	[timem:s3], [sflag:s2] =	dma.local @!p0 [hbm:s0], s1  }
0x73: {  	s0 =	simm.s32 @!p0 $0x4  }
0x74: {  	_ =	swait.ge @!p0 [sflag:s0], s1  }
0x75: {  	s1 =	ssub.s32 @!p0 $0x0, s1;
	[sflag:s0] =	ssyncset.done @!p0 $0x0  }
0x76: {  	[sflag:s0] =	ssyncadd.s32 @!p0 s1  }
0x77: {  	[bflag:$0x3] =	sbarrier.arrive $0xFFFF  }
0x78: {  	_ =	shalt  }

// kernel: kernel.19.cloned.1.call-start
scs
__scs_entry_jumppad:
0x0: {  	(pc) =	sbr.rel $0x88, $3  }
0x1: {  	(tag) =	ssettag $0x0;
	lr =	simm.s32 $0x1  }
0x2: {  	[smem:$0x3F97] =	sst lr;
	_ =	strace $0xD0000000  }
0x3: {  	_ = 	snop  }
0x4: {  	_ = 	snop  }
0x5: {  	_ = 	snop  }
0x6: {  	_ = 	snop  }
0x7: {  	_ = 	snop  }
__scs_overlays_trampoline_lowered:
0x8: {  	[smem:$0x3FA6] =	sst s0  }
0x9: {  	[smem:$0x3FA7] =	sst s1  }
0xa: {  	[smem:$0x3FA8] =	sst s2  }
0xb: {  	[smem:$0x3FA9] =	sst s3  }
0xc: {  	[smem:$0x3FAA] =	sst s4  }
0xd: {  	[smem:$0x3FAB] =	sst s5  }
0xe: {  	[smem:$0x3FAC] =	sst s6  }
0xf: {  	[smem:$0x3FAD] =	sst s7  }
0x10: {  	[smem:$0x3FAE] =	sst s8  }
0x11: {  	[smem:$0x3FAF] =	sst s9;
	s0 =	simm.s32 @!p0 $0x0  }
0x12: {  	s1 =	sld [smem:$0x3F95];
	s0 =	simm.s32 @p0 $0x1  }
0x13: {  	[smem:$0x3FB0] =	sst s0;
	s0 =	simm.s32 @!p1 $0x0  }
0x14: {  	s2 =	sld [smem:$0x3F94];
	s0 =	simm.s32 @p1 $0x1  }
0x15: {  	[smem:$0x3FB1] =	sst s0;
	s0 =	simm.s32 @!p2 $0x0  }
0x16: {  	s3 =	sld [smem:$0x3FDB];
	s0 =	simm.s32 @p2 $0x1  }
0x17: {  	s4 =	simm.s32 $0x1BF5;
	[smem:$0x3FB3] =	sst s0  }
0x18: {  	s0 =	sld [smem:$0x3F96];
	_ =	swait.ge [sflag:s4], $0x0  }
0x19: {  	s7 =	sld [smem:$0x3F97]  }
0x1a: {  	s8 =	sadd.s32 $0xFFFFE003, lr  }
0x1b: {  	s9 =	sadd.s32 $0xFFFFFEF7, lr;
	s5 =	simm.s32 $0xFFFFFFFF;
	p2 =	slt.u32 s8, $0xFFFFF086  }
0x1c: {  	p1 =	slt.u32 s9, $0xF7A;
	s5 =	simm.s32 @!p2 $0x0  }
0x1d: {  	s5 =	simm.s32 @p1 $0x1;
	p0 =	seq.s32 s7, s2  }
0x1e: {  	s7 =	smul.u32 @!p0 $0xF7A, s2;
	p2 =	seq.s32 @!p0 s5, $0x0  }
0x1f: {  	s9 =	smul.u32 $0xF7A, s1;
	s8 =	simm.s32 @!p0 $0x1BF5;
	p2 =	por !p2, p0  }
0x20: {  	[sflag:s8] =	ssyncset.s32 @!p0 $0xFFFFF086;
	s6 =	sadd.s32 @!p0 s3, s7;
	s7 =	simm.s32 @!p0 $0x108  }
0x21: {  	s3 =	sadd.s32 s3, s9;
	s6 =	sadd.s32 @!p0 $0x88, s6;
	s7 =	simm.s32 @p2 $0x1082  }
0x22: {  	[simem:s7], [sflag:s8] =	dma.local @!p0 [hbm:s6], $0xF7A  }
0x23: {  	s9 =	sor.u32 $0xD0000000, s2;
	s6 =	simm.s32 $0x108;
	_ =	swait.ge @!p0 [sflag:s8], $0x0  }
0x24: {  	s3 =	sadd.s32 $0x88, s3;
	s6 =	simm.s32 @!p1 $0x1082;
	[sflag:s4] =	ssyncset.s32 $0xFFFFF086  }
0x25: {  	[simem:s6], [sflag:s4] =	dma.local [hbm:s3], $0xF7A  }
0x26: {  	[smem:$0x3F97] =	sst s1;
	(tag) =	ssettag s2;
	_ =	strace s9  }
0x27: {  	s1 =	sld [smem:$0x3FA7]  }
0x28: {  	s2 =	sld [smem:$0x3FA8]  }
0x29: {  	s4 =	sld [smem:$0x3FAA]  }
0x2a: {  	p0 =	seq.s32 s5, $0x0;
	s5 =	sld [smem:$0x3FAB]  }
0x2b: {  	s6 =	sld [smem:$0x3FAC]  }
0x2c: {  	s7 =	sld [smem:$0x3FAD]  }
0x2d: {  	s3 =	simm.s32 $0x108;
	s8 =	sld [smem:$0x3FAE]  }
0x2e: {  	s3 =	simm.s32 @!p0 $0x1082;
	s9 =	sld [smem:$0x3FAF]  }
0x2f: {  	lr =	sadd.s32 s0, s3;
	s0 =	sld [smem:$0x3FA6]  }
0x30: {  	s3 =	sld [smem:$0x3FA9]  }
0x31: {  	[smem:$0x3FB2] =	sst s10  }
0x32: {  	s10 =	sld [smem:$0x3FB0];
	_ =	sdelay $0x3  }
0x33: {  	p0 =	seq.s32 s10, $0x1;
	s10 =	sld [smem:$0x3FB2];
	_ =	sdelay $0x3  }
0x34: {  	[smem:$0x3FB2] =	sst s10  }
0x35: {  	s10 =	sld [smem:$0x3FB1];
	_ =	sdelay $0x3  }
0x36: {  	p1 =	seq.s32 s10, $0x1;
	s10 =	sld [smem:$0x3FB2];
	_ =	sdelay $0x3  }
0x37: {  	[smem:$0x3FB2] =	sst s10  }
0x38: {  	s10 =	sld [smem:$0x3FB3]  }
0x39: {  	_ = 	snop;
	(pc) =	sbr.ind lr, $3  }
0x3a: {  	_ = 	snop  }
0x3b: {  	_ = 	snop  }
0x3c: {  	p2 =	seq.s32 s10, $0x1;
	s10 =	sld [smem:$0x3FB2]  }
0x3d: {  	_ =	shalt  }
0x3e: {  	_ =	shalt  }
0x3f: {  	_ =	shalt  }
0x40: {  	_ =	shalt  }
0x41: {  	_ =	shalt  }
0x42: {  	_ =	shalt  }
0x43: {  	_ =	shalt  }
0x44: {  	_ =	shalt  }
0x45: {  	_ =	shalt  }
0x46: {  	_ =	shalt  }
0x47: {  	_ =	shalt  }
0x48: {  	_ =	shalt  }
0x49: {  	_ =	shalt  }
0x4a: {  	_ =	shalt  }
0x4b: {  	_ =	shalt  }
0x4c: {  	_ =	shalt  }
0x4d: {  	_ =	shalt  }
0x4e: {  	_ =	shalt  }
0x4f: {  	_ =	shalt  }
0x50: {  	_ =	shalt  }
0x51: {  	_ =	shalt  }
0x52: {  	_ =	shalt  }
0x53: {  	_ =	shalt  }
0x54: {  	_ =	shalt  }
0x55: {  	_ =	shalt  }
0x56: {  	_ =	shalt  }
0x57: {  	_ =	shalt  }
0x58: {  	_ =	shalt  }
0x59: {  	_ =	shalt  }
0x5a: {  	_ =	shalt  }
0x5b: {  	_ =	shalt  }
0x5c: {  	_ =	shalt  }
0x5d: {  	_ =	shalt  }
0x5e: {  	_ =	shalt  }
0x5f: {  	_ =	shalt  }
0x60: {  	_ =	shalt  }
0x61: {  	_ =	shalt  }
0x62: {  	_ =	shalt  }
0x63: {  	_ =	shalt  }
0x64: {  	_ =	shalt  }
0x65: {  	_ =	shalt  }
0x66: {  	_ =	shalt  }
0x67: {  	_ =	shalt  }
0x68: {  	_ =	shalt  }
0x69: {  	_ =	shalt  }
0x6a: {  	_ =	shalt  }
0x6b: {  	_ =	shalt  }
0x6c: {  	_ =	shalt  }
0x6d: {  	_ =	shalt  }
0x6e: {  	_ =	shalt  }
0x6f: {  	_ =	shalt  }
0x70: {  	_ =	shalt  }
0x71: {  	_ =	shalt  }
0x72: {  	_ =	shalt  }
0x73: {  	_ =	shalt  }
0x74: {  	_ =	shalt  }
0x75: {  	_ =	shalt  }
0x76: {  	_ =	shalt  }
0x77: {  	_ =	shalt  }
0x78: {  	_ =	shalt  }
0x79: {  	_ =	shalt  }
0x7a: {  	_ =	shalt  }
0x7b: {  	_ =	shalt  }
0x7c: {  	_ =	shalt  }
0x7d: {  	_ =	shalt  }
0x7e: {  	_ =	shalt  }
0x7f: {  	_ =	shalt  }
0x80: {  	_ =	shalt  }
0x81: {  	_ =	shalt  }
0x82: {  	_ =	shalt  }
0x83: {  	_ =	shalt  }
0x84: {  	_ =	shalt  }
0x85: {  	_ =	shalt  }
0x86: {  	_ =	shalt  }
0x87: {  	_ =	shalt  }
.Lfunc_end0:
.L_simem_size_0:
called_computation.3_lowered:
.L_overlay_start_0:
0x88: {  	s2 =	sld [smem:$0x3FD9]  }
0x89: {  	s3 =	sld [smem:$0x3FFE];
	_ =	sdelay $0x1  }
0x8a: {  	s1 =	srdreg.scid  }
0x8b: {  	s0 =	sand.u32 $0x1, s1  }
0x8c: {  	s16 =	sshll.u32 s0, $0xA;
	s2 =	sadd.s32 s3, s2  }
0x8d: {  	s2 =	sadd.s32 s2, s16  }
0x8e: {  	[smem:$0x3FBE] =	sst s2  }
0x8f: {  	_ = 	snop  }
0x90: {  	(tm) =	ssettm $0x1  }
0x91: {  	s17 =	sld [smem:$0x3FFB];
	_ =	sdelay $0x3  }
0x92: {  	_ =	strace s17  }
0x93: {  	s2 =	sld [smem:$0x3FFC];
	_ =	sdelay $0x3  }
0x94: {  	_ =	strace s2  }
0x95: {  	s2 =	sld [smem:$0x3FFD];
	_ =	sdelay $0x3  }
0x96: {  	_ =	strace s2  }
0x97: {  	_ =	strace $0x8FFFFFFF  }
0x98: {  	s18 =	sld [smem:$0x3FDB];
	_ =	sdelay $0x1  }
0x99: {  	s19 =	simm.s32 $_scs_section_size  }
0x9a: {  	s4 =	simm.s32 $_size__tile_overlayer_lowered;
	s5 =	simm.s32 $_tile_overlayer_lowered  }
0x9b: {  	s22 =	simm.s32 $0x1BFF;
	s21 =	sshll.u32 s5, $0x1;
	s2 =	sadd.s32 s19, s18  }
0x9c: {  	s6 =	simm.s32 $0x0;
	s20 =	sshll.u32 s4, $0x1;
	s4 =	sadd.s32 s21, s2  }
0x9d: {  	[timem:s6], [sflag:s22] =	dma.local [hbm:s4], s20  }
0x9e: {  	_ =	swait.ge [sflag:s22], s20  }
0x9f: {  	s3 =	ssub.s32 $0x0, s20;
	[sflag:s22] =	ssyncset.done $0x0  }
0xa0: {  	[sflag:s22] =	ssyncadd.s32 s3;
	_ =	sdelay $0x1  }
0xa1: {  	s23 =	simm.s32 $0x1B8B  }
0xa2: {  	_ =	swait.ge [sflag:s23], $0x1  }
0xa3: {  	[sflag:s23] =	ssyncset.done $0x0  }
0xa4: {  	s25 =	simm.s32 $0x1B8E;
	s24 =	sld [smem:$0x3FFE];
	[sflag:s23] =	ssyncadd.s32 $0xFFFFFFFF  }
0xa5: {  	s26 =	simm.s32 $execute0_lowered;
	[smem:$0x3FD2] =	sst s25  }
0xa6: {  	s4 =	sshll.u32 s26, $0x1;
	_ =	strace $0x8000004F;
	[dreg:$0x1] =	wrdreg $0xFFFFFFFF  }
0xa7: {  	s28 =	simm.s32 $_size_execute0_lowered;
	s2 =	sadd.s32 s2, s4;
	[dreg:$0x0] =	wrdreg $0x0  }
0xa8: {  	s4 =	sshll.u32 s28, $0x1;
	[dreg:$0x2] =	wrdreg s2  }
0xa9: {  	[dreg:$0x3] =	wrdreg s4  }
0xaa: {  	[dreg:$0x4] =	wrdreg $0xC0  }
0xab: {  	_ =	task [dreg:s6], $0x5FFFF  }
0xac: {  	[dreg:$0x1] =	wrdreg $0xFFFFFFFF  }
0xad: {  	[dreg:$0x0] =	wrdreg $0x60  }
0xae: {  	[dreg:$0x2] =	wrdreg s24  }
0xaf: {  	[dreg:$0x3] =	wrdreg $0x82000  }
0xb0: {  	[dreg:$0x4] =	wrdreg $0x9  }
0xb1: {  	_ =	task.clear_ibuf [dreg:s6], $0x5FFFF;
	_ =	strace $0x9000004F  }
0xb2: {  	s29 =	simm.s32 $0x9;
	_ =	strace $0x80000051  }
0xb3: {  	_ =	swait.ge [sflag:s29], $0x1  }
0xb4: {  	[sflag:s29] =	ssyncadd.s32 $0xFFFFFFFF  }
0xb5: {  	_ =	strace $0x90000051  }
0xb6: {  	_ =	sfence  }
0xb7: {  	s30 =	sld [smem:$0x0];
	_ =	sdelay $0x2  }
0xb8: {  	s31 =	sshll.u32 s1, $0xD;
	s1 =	sshrl.u32 s1, $0x2  }
0xb9: {  	s3 =	sand.u32 $0x4000, s31;
	s1 =	sadd.s32 s1, s30  }
0xba: {  	s0 =	sor.u32 s3, s0;
	s1 =	sshll.u32 s1, $0x11  }
0xbb: {  	s0 =	sor.u32 s1, s0  }
0xbc: {  	s0 =	sadd.s32 $0x8F2B, s0  }
0xbd: {  	[sflag:s0] =	ssyncadd.remote.s32 $0x1  }
0xbe: {  	_ =	sfence.sel $0xFFFF  }
0xbf: {  	[dreg:$0x0] =	wrdreg $0xFFFFFFFF;
	(pc) =	sbr.abs _section_cstart, $3  }
0xc0: {  	[dreg:$0x1] =	wrdreg $0xFFFFFFFF  }
0xc1: {  	_ =	task.clear_ibuf [dreg:s6], $0x2FFFF;
	_ =	strace $0x9FFFFFFF  }
0xc2: {  	(tm) =	ssettm $0x7FFFFFFF  }
0xc3: {  	_ =	shalt  }
tec
execute0_lowered:
.L_overlay_start_1:
0x0: {  	(tag) =	ssettag $0x1  }
0x1: {  	s5 =	rddreg [dreg:$0x0]  }
0x2: {  	s1 =	rddreg [dreg:$0x1];
	s2 =	srdreg.scid  }
0x3: {  	s0 =	rddreg [dreg:$0x2];
	s3 =	simm.s32 $0x0;
	s13 =	simm.s32 $0x80  }
0x4: {  	s14 =	simm.s32 $0x200;
	s15 =	simm.s32 $0x4200;
	s6 =	sand.u32 $0x1, s2  }
0x5: {  	s16 =	simm.s32 $0x2;
	s2 =	stileid.u32;
	s7 =	smul.u32 $0xA000, s6  }
0x6: {  	s17 =	simm.s32 $0x3;
	s18 =	simm.s32 $0x180;
	s19 =	smul.u32 $0x2800, s2  }
0x7: {  	[smem:$0x7FF] =	sst s3;
	s4 =	sadd.s32 $0x17A00, s5;
	s8 =	smul.u32 $0x28000, s6  }
0x8: {  	_ =	strace $0x80000050;
	s9 =	smul.u32 $0x50000, s2;
	s29 =	ssub.s32 $0x2, s6  }
0x9: {  	s11 =	smul.u32 $0xA00, s2;
	s30 =	sshll.u32 s2, $0x6;
	s6 =	sshrl.u32 s29, $0x1  }
0xa: {  	s7 =	sadd.s32 s7, s5;
	s10 =	sadd.s32 s19, s5;
	s8 =	sadd.s32 s8, s5  }
0xb: {  	s9 =	sshrl.u32 s9, $0x2;
	s12 =	ssub.s32 s29, s6;
	s6 =	sor.u32 $0x1C04, s30  }
0xc: {  	s9 =	sadd.s32 s9, s1;
	s5 =	sadd.s32 $0x3FA00, s10;
	s31 =	sadd.s32 s11, s7  }
0xd: {  	s20 =	sadd.s32 $0x67A00, s8;
	s7 =	smax.u32 s12, $0x1;
	s10 =	simm.s32 $0x4  }
0xe: {  	s11 =	simm.s32 $0x100;
	s12 =	simm.s32 $0x1;
	s8 =	sadd.s32 $0x3A00, s31  }
0xf: {  	s9 =	sshrl.u32 s9, $0x3;
	s19 =	sadd.s32 s19, s20;
	s20 =	simm.s32 $0x0  }
.LBB2_1:
0x10: {  	[spmem:s9], [sflag:s6] =	dma.local [hbm:s5], $0x2800  }
0x11: {  	_ =	swait.ge [sflag:s10], $0x2800  }
0x12: {  	[sflag:s10] =	ssyncset.done $0x0  }
0x13: {  	[sflag:s10] =	ssyncadd.s32 $0xFFFFD800  }
0x14: {  	s21 =	sadd.s32 $0x0, s8;
	[bflag:$0x0] =	sbarrier.arrive $0xFFFF  }
0x15: {  	[tilespmem:s3], [sflag:$0x1] =	stream.linear.gather [hbm4b:s21+s3], $0x100, $0x38;
	[tilespmem:$0x1C200] =	vst v63  }
0x16: {  	s21 =	sadd.s32 $0x20, s21  }
0x17: {  	[tilespmem:s11], [sflag:$0x1] =	stream.linear.gather [hbm4b:s21+s3], $0x100, $0x38;
	[tilespmem:$0x1C200] =	vst v63  }
0x18: {  	_ =	swait.ge [sflag:s12], $0x100  }
0x19: {  	[sflag:s12] =	ssyncset.done $0x0  }
0x1a: {  	[sflag:s12] =	ssyncadd.s32 $0xFFFFFF00  }
0x1b: {  	_ =	swait.ge [sflag:s12], $0x100  }
0x1c: {  	[sflag:s12] =	ssyncset.done $0x0  }
0x1d: {  	[sflag:s12] =	ssyncadd.s32 $0xFFFFFF00  }
0x1e: {  	[tilespmem:s14], [sflag:$0x2] =	stream.indirect.gather [hbm4b:s4+s13], $0x80, s3, s13, $0xb8;
	[tilespmem:$0x1C200] =	vst v63  }
0x1f: {  	_ = 	snop  }
0x20: {  	[tilespmem:s15], [sflag:$0x3] =	stream.indirect.gather [hbm4b:s4+s13], $0x80, s11, s13, $0xb8;
	[tilespmem:$0x1C200] =	vst v63  }
0x21: {  	_ =	swait.ge [sflag:s16], $0x4000  }
0x22: {  	[sflag:s16] =	ssyncset.done $0x0  }
0x23: {  	[sflag:s16] =	ssyncadd.s32 $0xFFFFC000  }
0x24: {  	[spmem:s1] =	stream.indirect.scatter.add.f32 [tilespmem:s14], [sflag:$0x4], $0x80, s13, s13, $0xb8;
	[tilespmem:$0x1C200] =	vst v63  }
0x25: {  	_ =	swait.ge [sflag:s10], $0x4000  }
0x26: {  	[sflag:s10] =	ssyncset.done $0x0  }
0x27: {  	[sflag:s10] =	ssyncadd.s32 $0xFFFFC000  }
0x28: {  	_ =	swait.ge [sflag:s17], $0x4000  }
0x29: {  	[sflag:s17] =	ssyncset.done $0x0  }
0x2a: {  	[sflag:s17] =	ssyncadd.s32 $0xFFFFC000  }
0x2b: {  	[spmem:s1] =	stream.indirect.scatter.add.f32 [tilespmem:s15], [sflag:$0x4], $0x80, s18, s13, $0xb8;
	[tilespmem:$0x1C200] =	vst v63  }
0x2c: {  	_ =	swait.ge [sflag:s10], $0x4000  }
0x2d: {  	s22 =	simm.s32 $0x80;
	s21 =	simm.s32 $0x40;
	[sflag:s10] =	ssyncset.done $0x0  }
.LBB2_2:
0x2e: {  	s23 =	sadd.s32 s21, s8  }
0x2f: {  	[sflag:s10] =	ssyncadd.s32 $0xFFFFC000;
	s21 =	smov.u32 s22;
	s24 =	sadd.s32 $0x40, s22  }
0x30: {  	[tilespmem:s3], [sflag:$0x1] =	stream.linear.gather [hbm4b:s23+s3], $0x100, $0x38;
	[tilespmem:$0x1C200] =	vst v63  }
0x31: {  	p0 =	sne.s32 s22, $0x9C0;
	s22 =	sadd.s32 $0x20, s23  }
0x32: {  	[tilespmem:s11], [sflag:$0x1] =	stream.linear.gather [hbm4b:s22+s3], $0x100, $0x38;
	[tilespmem:$0x1C200] =	vst v63  }
0x33: {  	_ =	swait.ge [sflag:s12], $0x100  }
0x34: {  	[sflag:s12] =	ssyncset.done $0x0  }
0x35: {  	[sflag:s12] =	ssyncadd.s32 $0xFFFFFF00  }
0x36: {  	_ =	swait.ge [sflag:s12], $0x100  }
0x37: {  	[sflag:s12] =	ssyncset.done $0x0  }
0x38: {  	[sflag:s12] =	ssyncadd.s32 $0xFFFFFF00  }
0x39: {  	[tilespmem:s14], [sflag:$0x2] =	stream.indirect.gather [hbm4b:s4+s13], $0x80, s3, s13, $0xb8;
	[tilespmem:$0x1C200] =	vst v63  }
0x3a: {  	_ = 	snop  }
0x3b: {  	[tilespmem:s15], [sflag:$0x3] =	stream.indirect.gather [hbm4b:s4+s13], $0x80, s11, s13, $0xb8;
	[tilespmem:$0x1C200] =	vst v63  }
0x3c: {  	_ =	swait.ge [sflag:s16], $0x4000  }
0x3d: {  	[sflag:s16] =	ssyncset.done $0x0  }
0x3e: {  	[sflag:s16] =	ssyncadd.s32 $0xFFFFC000  }
0x3f: {  	[spmem:s1] =	stream.indirect.scatter.add.f32 [tilespmem:s14], [sflag:$0x4], $0x80, s13, s13, $0xb8;
	[tilespmem:$0x1C200] =	vst v63  }
0x40: {  	_ =	swait.ge [sflag:s10], $0x4000  }
0x41: {  	[sflag:s10] =	ssyncset.done $0x0  }
0x42: {  	[sflag:s10] =	ssyncadd.s32 $0xFFFFC000  }
0x43: {  	_ =	swait.ge [sflag:s17], $0x4000  }
.Ltmp0:
0x44: {  	[sflag:s17] =	ssyncset.done $0x0;
	(pc) =	sbr.rel @p0 .LBB2_2-.Ltmp0, $4  }
0x45: {  	[sflag:s17] =	ssyncadd.s32 $0xFFFFC000  }
0x46: {  	[spmem:s1] =	stream.indirect.scatter.add.f32 [tilespmem:s15], [sflag:$0x4], $0x80, s18, s13, $0xb8;
	[tilespmem:$0x1C200] =	vst v63  }
0x47: {  	_ =	swait.ge [sflag:s10], $0x4000  }
0x48: {  	s22 =	smov.u32 s24;
	[sflag:s10] =	ssyncset.done $0x0  }
0x49: {  	s21 =	sadd.s32 s21, s8;
	[sflag:s10] =	ssyncadd.s32 $0xFFFFC000  }
0x4a: {  	[tilespmem:s3], [sflag:$0x1] =	stream.linear.gather [hbm4b:s21+s3], $0x100, $0x38;
	[tilespmem:$0x1C200] =	vst v63  }
0x4b: {  	s21 =	sadd.s32 $0x20, s21  }
0x4c: {  	[tilespmem:s11], [sflag:$0x1] =	stream.linear.gather [hbm4b:s21+s3], $0x100, $0x38;
	[tilespmem:$0x1C200] =	vst v63  }
0x4d: {  	_ =	swait.ge [sflag:s12], $0x100  }
0x4e: {  	[sflag:s12] =	ssyncset.done $0x0  }
0x4f: {  	[sflag:s12] =	ssyncadd.s32 $0xFFFFFF00  }
0x50: {  	_ =	swait.ge [sflag:s12], $0x100  }
0x51: {  	[sflag:s12] =	ssyncset.done $0x0  }
0x52: {  	[sflag:s12] =	ssyncadd.s32 $0xFFFFFF00  }
0x53: {  	[tilespmem:s14], [sflag:$0x2] =	stream.indirect.gather [hbm4b:s4+s13], $0x80, s3, s13, $0xb8;
	[tilespmem:$0x1C200] =	vst v63  }
0x54: {  	_ = 	snop  }
0x55: {  	[tilespmem:s15], [sflag:$0x3] =	stream.indirect.gather [hbm4b:s4+s13], $0x80, s11, s13, $0xb8;
	[tilespmem:$0x1C200] =	vst v63  }
0x56: {  	_ =	swait.ge [sflag:s16], $0x4000  }
0x57: {  	[sflag:s16] =	ssyncset.done $0x0  }
0x58: {  	[sflag:s16] =	ssyncadd.s32 $0xFFFFC000  }
0x59: {  	[spmem:s1] =	stream.indirect.scatter.add.f32 [tilespmem:s14], [sflag:$0x4], $0x80, s13, s13, $0xb8;
	[tilespmem:$0x1C200] =	vst v63  }
0x5a: {  	_ =	swait.ge [sflag:s10], $0x4000  }
0x5b: {  	[sflag:s10] =	ssyncset.done $0x0  }
0x5c: {  	[sflag:s10] =	ssyncadd.s32 $0xFFFFC000  }
0x5d: {  	_ =	swait.ge [sflag:s17], $0x4000  }
0x5e: {  	[sflag:s17] =	ssyncset.done $0x0  }
0x5f: {  	[sflag:s17] =	ssyncadd.s32 $0xFFFFC000  }
0x60: {  	[spmem:s1] =	stream.indirect.scatter.add.f32 [tilespmem:s15], [sflag:$0x4], $0x80, s18, s13, $0xb8;
	[tilespmem:$0x1C200] =	vst v63  }
0x61: {  	_ =	swait.ge [sflag:s10], $0x4000  }
0x62: {  	s20 =	sadd.s32 $0x1, s20;
	[sflag:s10] =	ssyncset.done $0x0  }
0x63: {  	p0 =	sne.s32 s20, s7;
	[sflag:s10] =	ssyncadd.s32 $0xFFFFC000  }
.Ltmp1:
0x64: {  	[bflag:$0x0] =	sbarrier.arrive $0xFFFF;
	(pc) =	sbr.rel @p0 .LBB2_1-.Ltmp1, $4  }
0x65: {  	[hbm:s19], [sflag:s6] =	dma.local [spmem:s9], $0x2800  }
0x66: {  	_ =	swait.ge [sflag:s10], $0x2800  }
0x67: {  	[sflag:s10] =	ssyncset.done $0x0  }
0x68: {  	[sflag:s10] =	ssyncadd.s32 $0xFFFFD800  }
0x69: {  	_ =	sfence.sel $0x180000  }
0x6a: {  	[bflag:$0x0] =	sbarrier.arrive $0xFFFF  }
0x6b: {  	p0 =	sne.s32 s2, $0x0;
	_ =	strace $0x90000050  }
0x6c: {  	s0 =	sadd.s32 @!p0 $0x100000, s0;
	[bflag:$0x2] =	sbarrier.arrive $0xFFFF  }
0x6d: {  	[sflag:s0] =	ssyncadd.tile.s32 @!p0 $0x1;
	_ =	shalt  }
.Lfunc_end2:
_tile_overlayer_lowered:
.L_overlay_start_2:
0x6e: {  	(tag) =	ssettag $0x2  }
0x6f: {  	s0 =	rddreg [dreg:$0x0];
	s2 =	stileid.u32  }
0x70: {  	s1 =	rddreg [dreg:$0x1];
	p0 =	sne.s32 s2, $0x0  }
0x71: {  	s3 =	rddreg [dreg:$0x2];
	[bflag:$0x3] =	sbarrier.arrive $0xFFFF;
	s2 =	simm.s32 @!p0 $0x1C04  }
0x72: {  	[timem:s3], [sflag:s2] =	dma.local @!p0 [hbm:s0], s1  }
0x73: {  	s0 =	simm.s32 @!p0 $0x4  }
0x74: {  	_ =	swait.ge @!p0 [sflag:s0], s1  }
0x75: {  	s1 =	ssub.s32 @!p0 $0x0, s1;
	[sflag:s0] =	ssyncset.done @!p0 $0x0  }
0x76: {  	[sflag:s0] =	ssyncadd.s32 @!p0 s1  }
0x77: {  	[bflag:$0x3] =	sbarrier.arrive $0xFFFF  }
0x78: {  	_ =	shalt  }

</sc_bundles>
